<compile_context>
chip_gen: v7x
topology: tpu7x:2x2x1
jax: 0.10.2.dev20260603
libtpu: 0.0.44.dev20260713+nightly
codegen_flags: <defaults>
</compile_context>

<pallas_src>
import functools

import jax
import jax.numpy as jnp
from jax import lax
from jax.experimental import pallas as pl
from jax.experimental.pallas import tpu as pltpu
from jax.experimental.pallas import tpu_sc as plsc

B = 32
NPTS = 2048
N_VERTS = 2562
V_PAD = 2568
NG = 2304
SEGS = ((0, 608, 600, 0.45), (608, 704, 700, 0.45),
        (1312, 416, 400, 0.05), (1728, 576, 500, 0.05))
N_REAL = 2200
KP = 24
VT = 256
MT = 256


def _sc_gather_body(verts_hbm, idx_hbm, out_hbm, vref, iref, gref):
    c = lax.axis_index("c")
    s = lax.axis_index("s")
    b = s * 2 + c
    pltpu.sync_copy(verts_hbm.at[b], vref)
    pltpu.sync_copy(idx_hbm, iref)

    def body(j, carry):
        iv = iref[pl.ds(j * 16, 16)]
        for ch in range(3):
            vals = plsc.load_gather(vref, [iv + ch * V_PAD])
            gref[pl.ds(ch * NG + j * 16, 16)] = vals
        return carry

    lax.fori_loop(0, NG // 16, body, 0)
    pltpu.sync_copy(gref, out_hbm.at[b])


@functools.lru_cache(maxsize=1)
def _sc_gather():
    return pl.kernel(
        _sc_gather_body,
        out_type=jax.ShapeDtypeStruct((B, 3 * NG), jnp.float32),
        mesh=plsc.VectorSubcoreMesh(core_axis_name="c", subcore_axis_name="s"),
        compiler_params=pltpu.CompilerParams(needs_layout_passes=False),
        scratch_types=[
            pltpu.VMEM((3 * V_PAD,), jnp.float32),
            pltpu.VMEM((NG,), jnp.int32),
            pltpu.VMEM((3 * NG,), jnp.float32),
        ],
    )


def _bf(v):
    return lax.convert_element_type(
        lax.convert_element_type(v, jnp.bfloat16), jnp.float32)


def _tc_body(g_ref, cams_ref, wv_ref, hp_ref, bp_ref, np_ref, kp_ref,
             v2d_ref, loss_ref, pv_ref, pm_ref, aa_ref):
    sc = cams_ref[0, 0, 0]
    tx = cams_ref[0, 0, 1]
    ty = cams_ref[0, 0, 2]
    qw = cams_ref[0, 0, 3]
    qx = cams_ref[0, 0, 4]
    qy = cams_ref[0, 0, 5]
    qz = cams_ref[0, 0, 6]
    n2 = qw * qw + qx * qx + qy * qy + qz * qz
    r = lax.rsqrt(n2)
    r = r * (1.5 - 0.5 * n2 * r * r)
    r = r * (1.5 - 0.5 * n2 * r * r)
    den = n2 * r + 1e-8
    inv = r * (2.0 - den * r)
    inv = inv * (2.0 - den * inv)
    inv = inv * (2.0 - den * inv)
    w = qw * inv
    x = qx * inv
    y = qy * inv
    z = qz * inv
    b00 = _bf(1.0 - 2.0 * (y * y + z * z))
    b01 = _bf(2.0 * (x * y - w * z))
    b02 = _bf(2.0 * (x * z + w * y))
    b10 = _bf(2.0 * (x * y + w * z))
    b11 = _bf(1.0 - 2.0 * (x * x + z * z))
    b12 = _bf(2.0 * (y * z - w * x))

    gx = _bf(g_ref[0, 0:1, :])
    gy = _bf(g_ref[0, 1:2, :])
    gz = _bf(g_ref[0, 2:3, :])
    vx = sc * (b00 * gx + b01 * gy + b02 * gz) + tx
    vy = sc * (b10 * gx + b11 * gy + b12 * gz) + ty
    v2d_ref[0, 0:1, :] = vx
    v2d_ref[0, 1:2, :] = vy
    aa_ref[0:1, :] = vx * vx + vy * vy

    lane = lax.broadcasted_iota(jnp.int32, (1, NG), 1)
    bx2 = -2.0 * _bf(vx)
    by2 = -2.0 * _bf(vy)
    one = jnp.ones((1, NG), jnp.float32)
    zero = jnp.zeros((1, NG), jnp.bfloat16)
    for si, (off, lpad, _lreal, _wgt) in enumerate(SEGS):
        m = (lane >= off) & (lane < off + lpad)
        pv_ref[5 * si + 0:5 * si + 1, :] = jnp.where(m, bx2, 0.0).astype(jnp.bfloat16)
        pv_ref[5 * si + 1:5 * si + 2, :] = jnp.where(m, by2, 0.0).astype(jnp.bfloat16)
        mb = jnp.where(m, one, 0.0).astype(jnp.bfloat16)
        pv_ref[5 * si + 2:5 * si + 3, :] = mb
        pv_ref[5 * si + 3:5 * si + 4, :] = mb
        pv_ref[5 * si + 4:5 * si + 5, :] = mb
    for k in range(20, KP):
        pv_ref[k:k + 1, :] = zero

    zp = jnp.zeros((1, NPTS), jnp.bfloat16)
    for si, pref in enumerate((hp_ref, bp_ref, np_ref, kp_ref)):
        px = pref[0, 0:1, :]
        py = pref[0, 1:2, :]
        pp = px * px + py * py
        hh = _bf(pp)
        hm = _bf(pp - hh)
        hl = pp - hh - hm
        pm_ref[5 * si + 0:5 * si + 1, :] = px.astype(jnp.bfloat16)
        pm_ref[5 * si + 1:5 * si + 2, :] = py.astype(jnp.bfloat16)
        pm_ref[5 * si + 2:5 * si + 3, :] = hh.astype(jnp.bfloat16)
        pm_ref[5 * si + 3:5 * si + 4, :] = hm.astype(jnp.bfloat16)
        pm_ref[5 * si + 4:5 * si + 5, :] = hl.astype(jnp.bfloat16)
    for k in range(20, KP):
        pm_ref[k:k + 1, :] = zp

    total = jnp.zeros((1, VT), jnp.float32)
    for vt in range(NG // VT):
        rv = pv_ref[:, vt * VT:(vt + 1) * VT]
        dm = None
        for mt in range(NPTS // MT):
            lp = pm_ref[:, mt * MT:(mt + 1) * MT]
            dt = lax.dot_general(lp, rv, (((0,), (0,)), ((), ())),
                                 preferred_element_type=jnp.float32)
            r1 = jnp.min(dt, axis=0, keepdims=True)
            dm = r1 if dm is None else jnp.minimum(dm, r1)
        aa = aa_ref[0:1, vt * VT:(vt + 1) * VT]
        wc = wv_ref[0:1, vt * VT:(vt + 1) * VT]
        total = total + wc * (dm + aa)
    loss_ref[0, 0:1, :] = total


def _tc_call(g2, cams, wv, hp, bp, npp, kp):
    return pl.pallas_call(
        _tc_body,
        grid=(B,),
        in_specs=[
            pl.BlockSpec((1, 3, NG), lambda b: (b, 0, 0)),
            pl.BlockSpec((1, 1, 7), lambda b: (b, 0, 0),
                         memory_space=pltpu.SMEM),
            pl.BlockSpec((1, NG), lambda b: (0, 0)),
            pl.BlockSpec((1, 2, NPTS), lambda b: (b, 0, 0)),
            pl.BlockSpec((1, 2, NPTS), lambda b: (b, 0, 0)),
            pl.BlockSpec((1, 2, NPTS), lambda b: (b, 0, 0)),
            pl.BlockSpec((1, 2, NPTS), lambda b: (b, 0, 0)),
        ],
        out_specs=[
            pl.BlockSpec((1, 2, NG), lambda b: (b, 0, 0)),
            pl.BlockSpec((1, 1, VT), lambda b: (b, 0, 0)),
        ],
        out_shape=[
            jax.ShapeDtypeStruct((B, 2, NG), jnp.float32),
            jax.ShapeDtypeStruct((B, 1, VT), jnp.float32),
        ],
        scratch_shapes=[
            pltpu.VMEM((KP, NG), jnp.bfloat16),
            pltpu.VMEM((KP, NPTS), jnp.bfloat16),
            pltpu.VMEM((1, NG), jnp.float32),
        ],
    )(g2, cams, wv, hp, bp, npp, kp)


def kernel(head_points, belly_points, neck_points, back_points, verts, cams,
           head_idx, belly_idx, neck_idx, back_idx):
    def z(k):
        return jnp.zeros((k,), jnp.int32)

    idx_all = jnp.concatenate([head_idx, z(8), belly_idx, z(4),
                               neck_idx, z(16), back_idx, z(76)])
    wv = jnp.concatenate([
        jnp.full((600,), 0.45, jnp.float32), jnp.zeros((8,), jnp.float32),
        jnp.full((700,), 0.45, jnp.float32), jnp.zeros((4,), jnp.float32),
        jnp.full((400,), 0.05, jnp.float32), jnp.zeros((16,), jnp.float32),
        jnp.full((500,), 0.05, jnp.float32), jnp.zeros((76,), jnp.float32),
    ]).reshape(1, NG)
    verts_t = jnp.pad(verts.transpose(0, 2, 1),
                      ((0, 0), (0, 0), (0, V_PAD - N_VERTS))).reshape(B, 3 * V_PAD)
    g = _sc_gather()(verts_t, idx_all)
    g2 = g.reshape(B, 3, NG)
    hp = head_points.transpose(0, 2, 1)
    bp = belly_points.transpose(0, 2, 1)
    npp = neck_points.transpose(0, 2, 1)
    kp = back_points.transpose(0, 2, 1)
    v2d_pad, lp = _tc_call(g2, cams.reshape(B, 1, 7), wv, hp, bp, npp, kp)
    vp = v2d_pad.transpose(0, 2, 1)
    vert2d = jnp.concatenate([
        vp[:, 0:600], vp[:, 608:1308],
        vp[:, 1312:1712], vp[:, 1728:2228]], axis=1)
    loss = jnp.sum(lp) / (B * float(N_REAL))
    return loss, vert2d

# --- scband reference (transcript-rebuilt; emitter-appended) ---
"""Pipeline reference for scband-corr-loss-chamfer-63771674411371 (READ-ONLY COPY).

The authoritative reference and input builder live on the scoring server;
editing this copy changes nothing except your own understanding.
"""

import jax, jax.numpy as jnp
import numpy as np

B = 32
NPTS = 2048
N_VERTS = 2562
HEAD_N, BELLY_N, NECK_N, BACK_N = 600, 700, 400, 500
WEIGHTS = jnp.array([0.45, 0.45, 0.05, 0.05], dtype=jnp.float32)


def setup_inputs(seed: int = 0) -> dict:
    key = jax.random.key(seed)
    ks = jax.random.split(key, 10)
    return {
        "head_points": jax.random.normal(ks[0], (B, NPTS, 2), jnp.float32),
        "belly_points": jax.random.normal(ks[1], (B, NPTS, 2), jnp.float32),
        "neck_points": jax.random.normal(ks[2], (B, NPTS, 2), jnp.float32),
        "back_points": jax.random.normal(ks[3], (B, NPTS, 2), jnp.float32),
        "verts": jax.random.normal(ks[4], (B, N_VERTS, 3), jnp.float32),
        "cams": jax.random.normal(ks[5], (B, 7), jnp.float32),
        "head_idx": jax.random.randint(ks[6], (HEAD_N,), 0, N_VERTS, dtype=jnp.int32),
        "belly_idx": jax.random.randint(ks[7], (BELLY_N,), 0, N_VERTS, dtype=jnp.int32),
        "neck_idx": jax.random.randint(ks[8], (NECK_N,), 0, N_VERTS, dtype=jnp.int32),
        "back_idx": jax.random.randint(ks[9], (BACK_N,), 0, N_VERTS, dtype=jnp.int32),
    }


def quat_to_rotmat(q):
    q = q / (jnp.linalg.norm(q, axis=-1, keepdims=True) + 1e-8)
    w, x, y, z = q[:, 0], q[:, 1], q[:, 2], q[:, 3]
    R = jnp.stack([
        jnp.stack([1 - 2 * (y * y + z * z), 2 * (x * y - w * z), 2 * (x * z + w * y)], axis=-1),
        jnp.stack([2 * (x * y + w * z), 1 - 2 * (x * x + z * z), 2 * (y * z - w * x)], axis=-1),
        jnp.stack([2 * (x * z - w * y), 2 * (y * z + w * x), 1 - 2 * (x * x + y * y)], axis=-1),
    ], axis=1)
    return R


def project_points(verts, cams):
    # weak-perspective camera: [scale, tx, ty, quat(4)] as in CMR-style SoftRenderer
    scale = cams[:, 0:1]
    trans = cams[:, 1:3]
    quat = cams[:, 3:7]
    R = quat_to_rotmat(quat)
    Xr = jnp.einsum('bij,bnj->bni', R, verts)
    return scale[:, None, :] * Xr[:, :, :2] + trans[:, None, :]


def dist_chamfer(a, b):
    aa = jnp.sum(a * a, axis=-1)
    bb = jnp.sum(b * b, axis=-1)
    ab = jnp.einsum('bnd,bmd->bnm', a, b)
    d = aa[:, :, None] + bb[:, None, :] - 2.0 * ab
    dist1 = jnp.min(d, axis=2)
    idx1 = jnp.argmin(d, axis=2)
    dist2 = jnp.min(d, axis=1)
    idx2 = jnp.argmin(d, axis=1)
    return dist1, dist2, idx1, idx2


def reference(head_points, belly_points, neck_points, back_points, verts, cams,
              head_idx, belly_idx, neck_idx, back_idx):
    head_v = jnp.take(verts, head_idx, axis=1)
    belly_v = jnp.take(verts, belly_idx, axis=1)
    neck_v = jnp.take(verts, neck_idx, axis=1)
    back_v = jnp.take(verts, back_idx, axis=1)
    vert_coords = jnp.concatenate([head_v, belly_v, neck_v, back_v], axis=1)
    vert2d = project_points(vert_coords, cams)
    o1 = HEAD_N
    o2 = o1 + BELLY_N
    o3 = o2 + NECK_N
    head_c, _, _, _ = dist_chamfer(vert2d[:, :o1, :], head_points)
    belly_c, _, _, _ = dist_chamfer(vert2d[:, o1:o2, :], belly_points)
    neck_c, _, _, _ = dist_chamfer(vert2d[:, o2:o3, :], neck_points)
    back_c, _, _, _ = dist_chamfer(vert2d[:, o3:, :], back_points)
    cdist = jnp.concatenate([
        head_c * WEIGHTS[0],
        belly_c * WEIGHTS[1],
        neck_c * WEIGHTS[2],
        back_c * WEIGHTS[3],
    ], axis=1)
    loss = jnp.mean(cdist, axis=1)
    return jnp.mean(loss), vert2d

if __name__ == "__main__":
    import jax
    _d = setup_inputs()
    print(jax.jit(kernel)(*tuple(_d.values())))

</pallas_src>

<mosaic_0001>
#map = affine_map<(d0, d1) -> (0, 0)>
#map1 = affine_map<(d0, d1) -> (0)>
module attributes {stable_mosaic.version = 14 : i64} {
  func.func @_sc_gather_body(%arg0: i32, %arg1: i32, %arg2: memref<32x7704xf32, #tpu.memory_space<hbm>>, %arg3: memref<2304xi32, #tpu.memory_space<hbm>>, %arg4: memref<32x6912xf32, #tpu.memory_space<hbm>>, %arg5: memref<7704xf32, #tpu.memory_space<vmem>>, %arg6: memref<2304xi32, #tpu.memory_space<vmem>>, %arg7: memref<6912xf32, #tpu.memory_space<vmem>>) attributes {dimension_semantics = [#tpu.dimension_semantics<core_parallel>, #tpu.dimension_semantics<subcore_parallel>], iteration_bounds = array<i64: 2, 16>, scalar_prefetch = 0 : i64, scratch_operands = 3 : i64, tpu.core_type = #tpu.core_type<sc_vector_subcore>, window_params = [{transform_indices = #map}, {transform_indices = #map1}, {transform_indices = #map}]} {
    %mul3A = arith.constant 2 : i32
    %mul3A_0 = arith.muli %arg1, %mul3A : i32
    %add3A = arith.addi %mul3A_0, %arg0 : i32
    "tpu.region"() ({
      %run_scoped3A = tpu.sem_alloc : memref<!tpu.dma_semaphore, #tpu.memory_space<semaphore_mem>>
      %dma_start3A = arith.constant 0 : i32
      %dma_start3A_6 = tpu.memref_slice %arg2[%add3A, %dma_start3A] : memref<32x7704xf32, #tpu.memory_space<hbm>> -> memref<1x7704xf32, #tpu.memory_space<hbm>>
      %dma_start3A_7 = tpu.memref_squeeze %dma_start3A_6 : memref<1x7704xf32, #tpu.memory_space<hbm>> -> memref<7704xf32, #tpu.memory_space<hbm>>
      %dma_start3A_8 = arith.constant 0 : i32
      %dma_start3A_9 = tpu.memref_slice %arg2[%add3A, %dma_start3A_8] : memref<32x7704xf32, #tpu.memory_space<hbm>> -> memref<1x7704xf32, #tpu.memory_space<hbm>>
      %dma_start3A_10 = tpu.memref_squeeze %dma_start3A_9 : memref<1x7704xf32, #tpu.memory_space<hbm>> -> memref<7704xf32, #tpu.memory_space<hbm>>
      tpu.enqueue_dma source(%dma_start3A_10 : memref<7704xf32, #tpu.memory_space<hbm>>) target(%arg5 : memref<7704xf32, #tpu.memory_space<vmem>>) target_semaphore(%run_scoped3A : memref<!tpu.dma_semaphore, #tpu.memory_space<semaphore_mem>>)
      %dma_wait3A = arith.constant 0 : i32
      %dma_wait3A_11 = tpu.memref_slice %arg2[%add3A, %dma_wait3A] : memref<32x7704xf32, #tpu.memory_space<hbm>> -> memref<1x7704xf32, #tpu.memory_space<hbm>>
      %dma_wait3A_12 = tpu.memref_squeeze %dma_wait3A_11 : memref<1x7704xf32, #tpu.memory_space<hbm>> -> memref<7704xf32, #tpu.memory_space<hbm>>
      %dma_wait3A_13 = arith.constant 0 : i32
      %dma_wait3A_14 = tpu.memref_slice %arg2[%add3A, %dma_wait3A_13] : memref<32x7704xf32, #tpu.memory_space<hbm>> -> memref<1x7704xf32, #tpu.memory_space<hbm>>
      %dma_wait3A_15 = tpu.memref_squeeze %dma_wait3A_14 : memref<1x7704xf32, #tpu.memory_space<hbm>> -> memref<7704xf32, #tpu.memory_space<hbm>>
      tpu.wait_dma2 semaphore(%run_scoped3A : memref<!tpu.dma_semaphore, #tpu.memory_space<semaphore_mem>>) src(%dma_wait3A_15 : memref<7704xf32, #tpu.memory_space<hbm>>) dst(%arg5 : memref<7704xf32, #tpu.memory_space<vmem>>)
      tpu.yield
    }) : () -> ()
    "tpu.region"() ({
      %run_scoped3A = tpu.sem_alloc : memref<!tpu.dma_semaphore, #tpu.memory_space<semaphore_mem>>
      tpu.enqueue_dma source(%arg3 : memref<2304xi32, #tpu.memory_space<hbm>>) target(%arg6 : memref<2304xi32, #tpu.memory_space<vmem>>) target_semaphore(%run_scoped3A : memref<!tpu.dma_semaphore, #tpu.memory_space<semaphore_mem>>)
      tpu.wait_dma2 semaphore(%run_scoped3A : memref<!tpu.dma_semaphore, #tpu.memory_space<semaphore_mem>>) src(%arg3 : memref<2304xi32, #tpu.memory_space<hbm>>) dst(%arg6 : memref<2304xi32, #tpu.memory_space<vmem>>)
      tpu.yield
    }) : () -> ()
    %scan3A = arith.constant 0 : i32
    %scan3A_1 = arith.constant 0 : i32
    %scan3A_2 = arith.constant 144 : i32
    %scan3A_3 = arith.addi %scan3A_1, %scan3A_2 : i32
    %scan3A_4 = arith.constant 1 : i32
    scf.for %scan3A_6 = %scan3A_1 to %scan3A_3 step %scan3A_4  : i32 {
      %mul3A_7 = arith.constant 16 : i32
      %mul3A_8 = arith.muli %scan3A_6, %mul3A_7 : i32
      %get3A = arith.index_cast %mul3A_8 : i32 to index
      %get3A_9 = tpu.vector_load %arg6[%get3A] {strides = array<i32>} : memref<2304xi32, #tpu.memory_space<vmem>>, vector<16xi32>,
      %add3A_10 = arith.constant 0 : i32
      %add3A_11 = vector.broadcast %add3A_10 : i32 to vector<16xi32>
      %add3A_12 = arith.addi %get3A_9, %add3A_11 : vector<16xi32>
      %gather3A = tpu.vector_load_idx %arg5[%add3A_12] : memref<7704xf32, #tpu.memory_space<vmem>>[vector<16xi32>], vector<16xf32>,
      %mul3A_13 = arith.constant 16 : i32
      %mul3A_14 = arith.muli %scan3A_6, %mul3A_13 : i32
      %add3A_15 = arith.constant 0 : i32
      %add3A_16 = arith.addi %add3A_15, %mul3A_14 : i32
      %swap3A = arith.index_cast %add3A_16 : i32 to index
      %swap3A_17 = tpu.vector_load %arg7[%swap3A] {strides = array<i32>} : memref<6912xf32, #tpu.memory_space<vmem>>, vector<16xf32>,
      tpu.vector_store %arg7[%swap3A], %gather3A {strides = array<i32>} : memref<6912xf32, #tpu.memory_space<vmem>>, vector<16xf32>,
      %add3A_18 = arith.constant 2568 : i32
      %add3A_19 = vector.broadcast %add3A_18 : i32 to vector<16xi32>
      %add3A_20 = arith.addi %get3A_9, %add3A_19 : vector<16xi32>
      %gather3A_21 = tpu.vector_load_idx %arg5[%add3A_20] : memref<7704xf32, #tpu.memory_space<vmem>>[vector<16xi32>], vector<16xf32>,
      %mul3A_22 = arith.constant 16 : i32
      %mul3A_23 = arith.muli %scan3A_6, %mul3A_22 : i32
      %add3A_24 = arith.constant 2304 : i32
      %add3A_25 = arith.addi %add3A_24, %mul3A_23 : i32
      %swap3A_26 = arith.index_cast %add3A_25 : i32 to index
      %swap3A_27 = tpu.vector_load %arg7[%swap3A_26] {strides = array<i32>} : memref<6912xf32, #tpu.memory_space<vmem>>, vector<16xf32>,
      tpu.vector_store %arg7[%swap3A_26], %gather3A_21 {strides = array<i32>} : memref<6912xf32, #tpu.memory_space<vmem>>, vector<16xf32>,
      %add3A_28 = arith.constant 5136 : i32
      %add3A_29 = vector.broadcast %add3A_28 : i32 to vector<16xi32>
      %add3A_30 = arith.addi %get3A_9, %add3A_29 : vector<16xi32>
      %gather3A_31 = tpu.vector_load_idx %arg5[%add3A_30] : memref<7704xf32, #tpu.memory_space<vmem>>[vector<16xi32>], vector<16xf32>,
      %mul3A_32 = arith.constant 16 : i32
      %mul3A_33 = arith.muli %scan3A_6, %mul3A_32 : i32
      %add3A_34 = arith.constant 4608 : i32
      %add3A_35 = arith.addi %add3A_34, %mul3A_33 : i32
      %swap3A_36 = arith.index_cast %add3A_35 : i32 to index
      %swap3A_37 = tpu.vector_load %arg7[%swap3A_36] {strides = array<i32>} : memref<6912xf32, #tpu.memory_space<vmem>>, vector<16xf32>,
      tpu.vector_store %arg7[%swap3A_36], %gather3A_31 {strides = array<i32>} : memref<6912xf32, #tpu.memory_space<vmem>>, vector<16xf32>,
    }
    %scan3A_5 = arith.constant 144 : i32
    "tpu.region"() ({
      %run_scoped3A = tpu.sem_alloc : memref<!tpu.dma_semaphore, #tpu.memory_space<semaphore_mem>>
      %dma_start3A = arith.constant 0 : i32
      %dma_start3A_6 = tpu.memref_slice %arg4[%add3A, %dma_start3A] : memref<32x6912xf32, #tpu.memory_space<hbm>> -> memref<1x6912xf32, #tpu.memory_space<hbm>>
      %dma_start3A_7 = tpu.memref_squeeze %dma_start3A_6 : memref<1x6912xf32, #tpu.memory_space<hbm>> -> memref<6912xf32, #tpu.memory_space<hbm>>
      %dma_start3A_8 = arith.constant 0 : i32
      %dma_start3A_9 = tpu.memref_slice %arg4[%add3A, %dma_start3A_8] : memref<32x6912xf32, #tpu.memory_space<hbm>> -> memref<1x6912xf32, #tpu.memory_space<hbm>>
      %dma_start3A_10 = tpu.memref_squeeze %dma_start3A_9 : memref<1x6912xf32, #tpu.memory_space<hbm>> -> memref<6912xf32, #tpu.memory_space<hbm>>
      tpu.enqueue_dma source(%arg7 : memref<6912xf32, #tpu.memory_space<vmem>>) target(%dma_start3A_10 : memref<6912xf32, #tpu.memory_space<hbm>>) target_semaphore(%run_scoped3A : memref<!tpu.dma_semaphore, #tpu.memory_space<semaphore_mem>>)
      %dma_wait3A = arith.constant 0 : i32
      %dma_wait3A_11 = tpu.memref_slice %arg4[%add3A, %dma_wait3A] : memref<32x6912xf32, #tpu.memory_space<hbm>> -> memref<1x6912xf32, #tpu.memory_space<hbm>>
      %dma_wait3A_12 = tpu.memref_squeeze %dma_wait3A_11 : memref<1x6912xf32, #tpu.memory_space<hbm>> -> memref<6912xf32, #tpu.memory_space<hbm>>
      %dma_wait3A_13 = arith.constant 0 : i32
      %dma_wait3A_14 = tpu.memref_slice %arg4[%add3A, %dma_wait3A_13] : memref<32x6912xf32, #tpu.memory_space<hbm>> -> memref<1x6912xf32, #tpu.memory_space<hbm>>
      %dma_wait3A_15 = tpu.memref_squeeze %dma_wait3A_14 : memref<1x6912xf32, #tpu.memory_space<hbm>> -> memref<6912xf32, #tpu.memory_space<hbm>>
      tpu.wait_dma2 semaphore(%run_scoped3A : memref<!tpu.dma_semaphore, #tpu.memory_space<semaphore_mem>>) src(%arg7 : memref<6912xf32, #tpu.memory_space<vmem>>) dst(%dma_wait3A_15 : memref<6912xf32, #tpu.memory_space<hbm>>)
      tpu.yield
    }) : () -> ()
    return
  }
}

module attributes {stable_mosaic.version = 14 : i64} {
  func.func @_tc_body(%arg0: i32, %arg1: memref<1x3x2304xf32, #tpu.memory_space<vmem>>, %arg2: memref<1x1x7xf32, #tpu.memory_space<smem>>, %arg3: memref<1x2304xf32, #tpu.memory_space<vmem>>, %arg4: memref<1x2x2048xf32, #tpu.memory_space<vmem>>, %arg5: memref<1x2x2048xf32, #tpu.memory_space<vmem>>, %arg6: memref<1x2x2048xf32, #tpu.memory_space<vmem>>, %arg7: memref<1x2x2048xf32, #tpu.memory_space<vmem>>, %arg8: memref<1x2x2304xf32, #tpu.memory_space<vmem>>, %arg9: memref<1x1x256xf32, #tpu.memory_space<vmem>>, %arg10: memref<24x2304xbf16, #tpu.memory_space<vmem>>, %arg11: memref<24x2048xbf16, #tpu.memory_space<vmem>>, %arg12: memref<1x2304xf32, #tpu.memory_space<vmem>>) attributes {dimension_semantics = [#tpu.dimension_semantics<arbitrary>], iteration_bounds = array<i64: 32>, scalar_prefetch = 0 : i64, scratch_operands = 3 : i64, tpu.core_type = #tpu.core_type<tc>, window_params = [{transform_indices = @transform_0, window_bounds = array<i64: 1, 3, 2304>}, {transform_indices = @transform_1, window_bounds = array<i64: 1, 1, 7>}, {pipeline_mode = #tpu.pipeline_mode<synchronous>, transform_indices = @transform_2, window_bounds = array<i64: 1, 2304>}, {transform_indices = @transform_3, window_bounds = array<i64: 1, 2, 2048>}, {transform_indices = @transform_4, window_bounds = array<i64: 1, 2, 2048>}, {transform_indices = @transform_5, window_bounds = array<i64: 1, 2, 2048>}, {transform_indices = @transform_6, window_bounds = array<i64: 1, 2, 2048>}, {transform_indices = @transform_7, window_bounds = array<i64: 1, 2, 2304>}, {transform_indices = @transform_8, window_bounds = array<i64: 1, 1, 256>}]} {
    %get3A = arith.constant 0 : index
    %get3A_0 = arith.constant 0 : index
    %get3A_1 = arith.constant 0 : index
    %get3A_2 = memref.load %arg2[%get3A, %get3A_0, %get3A_1] : memref<1x1x7xf32, #tpu.memory_space<smem>>
    %get3A_3 = arith.constant 0 : index
    %get3A_4 = arith.constant 0 : index
    %get3A_5 = arith.constant 1 : index
    %get3A_6 = memref.load %arg2[%get3A_3, %get3A_4, %get3A_5] : memref<1x1x7xf32, #tpu.memory_space<smem>>
    %get3A_7 = arith.constant 0 : index
    %get3A_8 = arith.constant 0 : index
    %get3A_9 = arith.constant 2 : index
    %get3A_10 = memref.load %arg2[%get3A_7, %get3A_8, %get3A_9] : memref<1x1x7xf32, #tpu.memory_space<smem>>
    %get3A_11 = arith.constant 0 : index
    %get3A_12 = arith.constant 0 : index
    %get3A_13 = arith.constant 3 : index
    %get3A_14 = memref.load %arg2[%get3A_11, %get3A_12, %get3A_13] : memref<1x1x7xf32, #tpu.memory_space<smem>>
    %get3A_15 = arith.constant 0 : index
    %get3A_16 = arith.constant 0 : index
    %get3A_17 = arith.constant 4 : index
    %get3A_18 = memref.load %arg2[%get3A_15, %get3A_16, %get3A_17] : memref<1x1x7xf32, #tpu.memory_space<smem>>
    %get3A_19 = arith.constant 0 : index
    %get3A_20 = arith.constant 0 : index
    %get3A_21 = arith.constant 5 : index
    %get3A_22 = memref.load %arg2[%get3A_19, %get3A_20, %get3A_21] : memref<1x1x7xf32, #tpu.memory_space<smem>>
    %get3A_23 = arith.constant 0 : index
    %get3A_24 = arith.constant 0 : index
    %get3A_25 = arith.constant 6 : index
    %get3A_26 = memref.load %arg2[%get3A_23, %get3A_24, %get3A_25] : memref<1x1x7xf32, #tpu.memory_space<smem>>
    %mul3A = arith.mulf %get3A_14, %get3A_14 : f32
    %mul3A_27 = arith.mulf %get3A_18, %get3A_18 : f32
    %add3A = arith.addf %mul3A, %mul3A_27 : f32
    %mul3A_28 = arith.mulf %get3A_22, %get3A_22 : f32
    %add3A_29 = arith.addf %add3A, %mul3A_28 : f32
    %mul3A_30 = arith.mulf %get3A_26, %get3A_26 : f32
    %add3A_31 = arith.addf %add3A_29, %mul3A_30 : f32
    %rsqrt3A = math.rsqrt %add3A_31 : f32
    %mul3A_32 = arith.constant 5.000000e-01 : f32
    %mul3A_33 = arith.mulf %mul3A_32, %add3A_31 : f32
    %mul3A_34 = arith.mulf %mul3A_33, %rsqrt3A : f32
    %mul3A_35 = arith.mulf %mul3A_34, %rsqrt3A : f32
    %sub3A = arith.constant 1.500000e+00 : f32
    %sub3A_36 = arith.subf %sub3A, %mul3A_35 : f32
    %mul3A_37 = arith.mulf %rsqrt3A, %sub3A_36 : f32
    %mul3A_38 = arith.constant 5.000000e-01 : f32
    %mul3A_39 = arith.mulf %mul3A_38, %add3A_31 : f32
    %mul3A_40 = arith.mulf %mul3A_39, %mul3A_37 : f32
    %mul3A_41 = arith.mulf %mul3A_40, %mul3A_37 : f32
    %sub3A_42 = arith.constant 1.500000e+00 : f32
    %sub3A_43 = arith.subf %sub3A_42, %mul3A_41 : f32
    %mul3A_44 = arith.mulf %mul3A_37, %sub3A_43 : f32
    %mul3A_45 = arith.mulf %add3A_31, %mul3A_44 : f32
    %add3A_46 = arith.constant 9.99999993E-9 : f32
    %add3A_47 = arith.addf %mul3A_45, %add3A_46 : f32
    %mul3A_48 = arith.mulf %add3A_47, %mul3A_44 : f32
    %sub3A_49 = arith.constant 2.000000e+00 : f32
    %sub3A_50 = arith.subf %sub3A_49, %mul3A_48 : f32
    %mul3A_51 = arith.mulf %mul3A_44, %sub3A_50 : f32
    %mul3A_52 = arith.mulf %add3A_47, %mul3A_51 : f32
    %sub3A_53 = arith.constant 2.000000e+00 : f32
    %sub3A_54 = arith.subf %sub3A_53, %mul3A_52 : f32
    %mul3A_55 = arith.mulf %mul3A_51, %sub3A_54 : f32
    %mul3A_56 = arith.mulf %add3A_47, %mul3A_55 : f32
    %sub3A_57 = arith.constant 2.000000e+00 : f32
    %sub3A_58 = arith.subf %sub3A_57, %mul3A_56 : f32
    %mul3A_59 = arith.mulf %mul3A_55, %sub3A_58 : f32
    %mul3A_60 = arith.mulf %get3A_14, %mul3A_59 : f32
    %mul3A_61 = arith.mulf %get3A_18, %mul3A_59 : f32
    %mul3A_62 = arith.mulf %get3A_22, %mul3A_59 : f32
    %mul3A_63 = arith.mulf %get3A_26, %mul3A_59 : f32
    %mul3A_64 = arith.mulf %mul3A_62, %mul3A_62 : f32
    %mul3A_65 = arith.mulf %mul3A_63, %mul3A_63 : f32
    %add3A_66 = arith.addf %mul3A_64, %mul3A_65 : f32
    %mul3A_67 = arith.constant 2.000000e+00 : f32
    %mul3A_68 = arith.mulf %mul3A_67, %add3A_66 : f32
    %sub3A_69 = arith.constant 1.000000e+00 : f32
    %sub3A_70 = arith.subf %sub3A_69, %mul3A_68 : f32
    %convert_element_type3A = arith.truncf %sub3A_70 : f32 to bf16
    %convert_element_type3A_71 = arith.extf %convert_element_type3A : bf16 to f32
    %mul3A_72 = arith.mulf %mul3A_61, %mul3A_62 : f32
    %mul3A_73 = arith.mulf %mul3A_60, %mul3A_63 : f32
    %sub3A_74 = arith.subf %mul3A_72, %mul3A_73 : f32
    %mul3A_75 = arith.constant 2.000000e+00 : f32
    %mul3A_76 = arith.mulf %mul3A_75, %sub3A_74 : f32
    %convert_element_type3A_77 = arith.truncf %mul3A_76 : f32 to bf16
    %convert_element_type3A_78 = arith.extf %convert_element_type3A_77 : bf16 to f32
    %mul3A_79 = arith.mulf %mul3A_61, %mul3A_63 : f32
    %mul3A_80 = arith.mulf %mul3A_60, %mul3A_62 : f32
    %add3A_81 = arith.addf %mul3A_79, %mul3A_80 : f32
    %mul3A_82 = arith.constant 2.000000e+00 : f32
    %mul3A_83 = arith.mulf %mul3A_82, %add3A_81 : f32
    %convert_element_type3A_84 = arith.truncf %mul3A_83 : f32 to bf16
    %convert_element_type3A_85 = arith.extf %convert_element_type3A_84 : bf16 to f32
    %mul3A_86 = arith.mulf %mul3A_61, %mul3A_62 : f32
    %mul3A_87 = arith.mulf %mul3A_60, %mul3A_63 : f32
    %add3A_88 = arith.addf %mul3A_86, %mul3A_87 : f32
    %mul3A_89 = arith.constant 2.000000e+00 : f32
    %mul3A_90 = arith.mulf %mul3A_89, %add3A_88 : f32
    %convert_element_type3A_91 = arith.truncf %mul3A_90 : f32 to bf16
    %convert_element_type3A_92 = arith.extf %convert_element_type3A_91 : bf16 to f32
    %mul3A_93 = arith.mulf %mul3A_61, %mul3A_61 : f32
    %mul3A_94 = arith.mulf %mul3A_63, %mul3A_63 : f32
    %add3A_95 = arith.addf %mul3A_93, %mul3A_94 : f32
    %mul3A_96 = arith.constant 2.000000e+00 : f32
    %mul3A_97 = arith.mulf %mul3A_96, %add3A_95 : f32
    %sub3A_98 = arith.constant 1.000000e+00 : f32
    %sub3A_99 = arith.subf %sub3A_98, %mul3A_97 : f32
    %convert_element_type3A_100 = arith.truncf %sub3A_99 : f32 to bf16
    %convert_element_type3A_101 = arith.extf %convert_element_type3A_100 : bf16 to f32
    %mul3A_102 = arith.mulf %mul3A_62, %mul3A_63 : f32
    %mul3A_103 = arith.mulf %mul3A_60, %mul3A_61 : f32
    %sub3A_104 = arith.subf %mul3A_102, %mul3A_103 : f32
    %mul3A_105 = arith.constant 2.000000e+00 : f32
    %mul3A_106 = arith.mulf %mul3A_105, %sub3A_104 : f32
    %convert_element_type3A_107 = arith.truncf %mul3A_106 : f32 to bf16
    %convert_element_type3A_108 = arith.extf %convert_element_type3A_107 : bf16 to f32
    %get3A_109 = arith.constant 0 : index
    %get3A_110 = arith.constant 0 : index
    %get3A_111 = arith.constant 0 : index
    %get3A_112 = vector.load %arg1[%get3A_109, %get3A_110, %get3A_111] : memref<1x3x2304xf32, #tpu.memory_space<vmem>>, vector<1x1x2304xf32>
    %get3A_113 = vector.shape_cast %get3A_112 : vector<1x1x2304xf32> to vector<1x2304xf32>
    %convert_element_type3A_114 = arith.truncf %get3A_113 : vector<1x2304xf32> to vector<1x2304xbf16>
    %convert_element_type3A_115 = arith.extf %convert_element_type3A_114 : vector<1x2304xbf16> to vector<1x2304xf32>
    %get3A_116 = arith.constant 0 : index
    %get3A_117 = arith.constant 1 : index
    %get3A_118 = arith.constant 0 : index
    %get3A_119 = vector.load %arg1[%get3A_116, %get3A_117, %get3A_118] : memref<1x3x2304xf32, #tpu.memory_space<vmem>>, vector<1x1x2304xf32>
    %get3A_120 = vector.shape_cast %get3A_119 : vector<1x1x2304xf32> to vector<1x2304xf32>
    %convert_element_type3A_121 = arith.truncf %get3A_120 : vector<1x2304xf32> to vector<1x2304xbf16>
    %convert_element_type3A_122 = arith.extf %convert_element_type3A_121 : vector<1x2304xbf16> to vector<1x2304xf32>
    %get3A_123 = arith.constant 0 : index
    %get3A_124 = arith.constant 2 : index
    %get3A_125 = arith.constant 0 : index
    %get3A_126 = vector.load %arg1[%get3A_123, %get3A_124, %get3A_125] : memref<1x3x2304xf32, #tpu.memory_space<vmem>>, vector<1x1x2304xf32>
    %get3A_127 = vector.shape_cast %get3A_126 : vector<1x1x2304xf32> to vector<1x2304xf32>
    %convert_element_type3A_128 = arith.truncf %get3A_127 : vector<1x2304xf32> to vector<1x2304xbf16>
    %convert_element_type3A_129 = arith.extf %convert_element_type3A_128 : vector<1x2304xbf16> to vector<1x2304xf32>
    %mul3A_130 = vector.broadcast %convert_element_type3A_71 : f32 to vector<1x2304xf32>
    %mul3A_131 = arith.mulf %mul3A_130, %convert_element_type3A_115 : vector<1x2304xf32>
    %mul3A_132 = vector.broadcast %convert_element_type3A_78 : f32 to vector<1x2304xf32>
    %mul3A_133 = arith.mulf %mul3A_132, %convert_element_type3A_122 : vector<1x2304xf32>
    %add3A_134 = arith.addf %mul3A_131, %mul3A_133 : vector<1x2304xf32>
    %mul3A_135 = vector.broadcast %convert_element_type3A_85 : f32 to vector<1x2304xf32>
    %mul3A_136 = arith.mulf %mul3A_135, %convert_element_type3A_129 : vector<1x2304xf32>
    %add3A_137 = arith.addf %add3A_134, %mul3A_136 : vector<1x2304xf32>
    %mul3A_138 = vector.broadcast %get3A_2 : f32 to vector<1x2304xf32>
    %mul3A_139 = arith.mulf %mul3A_138, %add3A_137 : vector<1x2304xf32>
    %add3A_140 = vector.broadcast %get3A_6 : f32 to vector<1x2304xf32>
    %add3A_141 = arith.addf %mul3A_139, %add3A_140 : vector<1x2304xf32>
    %mul3A_142 = vector.broadcast %convert_element_type3A_92 : f32 to vector<1x2304xf32>
    %mul3A_143 = arith.mulf %mul3A_142, %convert_element_type3A_115 : vector<1x2304xf32>
    %mul3A_144 = vector.broadcast %convert_element_type3A_101 : f32 to vector<1x2304xf32>
    %mul3A_145 = arith.mulf %mul3A_144, %convert_element_type3A_122 : vector<1x2304xf32>
    %add3A_146 = arith.addf %mul3A_143, %mul3A_145 : vector<1x2304xf32>
    %mul3A_147 = vector.broadcast %convert_element_type3A_108 : f32 to vector<1x2304xf32>
    %mul3A_148 = arith.mulf %mul3A_147, %convert_element_type3A_129 : vector<1x2304xf32>
    %add3A_149 = arith.addf %add3A_146, %mul3A_148 : vector<1x2304xf32>
    %mul3A_150 = vector.broadcast %get3A_2 : f32 to vector<1x2304xf32>
    %mul3A_151 = arith.mulf %mul3A_150, %add3A_149 : vector<1x2304xf32>
    %add3A_152 = vector.broadcast %get3A_10 : f32 to vector<1x2304xf32>
    %add3A_153 = arith.addf %mul3A_151, %add3A_152 : vector<1x2304xf32>
    %swap3A = arith.constant 0 : index
    %swap3A_154 = arith.constant 0 : index
    %swap3A_155 = arith.constant 0 : index
    %swap3A_156 = vector.load %arg8[%swap3A, %swap3A_154, %swap3A_155] : memref<1x2x2304xf32, #tpu.memory_space<vmem>>, vector<1x1x2304xf32>
    %swap3A_157 = vector.shape_cast %swap3A_156 : vector<1x1x2304xf32> to vector<1x2304xf32>
    %swap3A_158 = vector.shape_cast %add3A_141 : vector<1x2304xf32> to vector<1x1x2304xf32>
    tpu.vector_store %arg8[%swap3A, %swap3A_154, %swap3A_155], %swap3A_158 {strides = array<i32>} : memref<1x2x2304xf32, #tpu.memory_space<vmem>>, vector<1x1x2304xf32>,
    %swap3A_159 = arith.constant 0 : index
    %swap3A_160 = arith.constant 1 : index
    %swap3A_161 = arith.constant 0 : index
    %swap3A_162 = vector.load %arg8[%swap3A_159, %swap3A_160, %swap3A_161] : memref<1x2x2304xf32, #tpu.memory_space<vmem>>, vector<1x1x2304xf32>
    %swap3A_163 = vector.shape_cast %swap3A_162 : vector<1x1x2304xf32> to vector<1x2304xf32>
    %swap3A_164 = vector.shape_cast %add3A_153 : vector<1x2304xf32> to vector<1x1x2304xf32>
    tpu.vector_store %arg8[%swap3A_159, %swap3A_160, %swap3A_161], %swap3A_164 {strides = array<i32>} : memref<1x2x2304xf32, #tpu.memory_space<vmem>>, vector<1x1x2304xf32>,
    %mul3A_165 = arith.mulf %add3A_141, %add3A_141 : vector<1x2304xf32>
    %mul3A_166 = arith.mulf %add3A_153, %add3A_153 : vector<1x2304xf32>
    %add3A_167 = arith.addf %mul3A_165, %mul3A_166 : vector<1x2304xf32>
    %swap3A_168 = arith.constant 0 : index
    %swap3A_169 = arith.constant 0 : index
    %swap3A_170 = vector.load %arg12[%swap3A_168, %swap3A_169] : memref<1x2304xf32, #tpu.memory_space<vmem>>, vector<1x2304xf32>
    tpu.vector_store %arg12[%swap3A_168, %swap3A_169], %add3A_167 {strides = array<i32>} : memref<1x2304xf32, #tpu.memory_space<vmem>>, vector<1x2304xf32>,
    %iota3A = tpu.iota {dimensions = array<i32: 1>} : vector<1x2304xi32>
    %convert_element_type3A_171 = arith.truncf %add3A_141 : vector<1x2304xf32> to vector<1x2304xbf16>
    %convert_element_type3A_172 = arith.extf %convert_element_type3A_171 : vector<1x2304xbf16> to vector<1x2304xf32>
    %mul3A_173 = arith.constant -2.000000e+00 : f32
    %mul3A_174 = vector.broadcast %mul3A_173 : f32 to vector<1x2304xf32>
    %mul3A_175 = arith.mulf %mul3A_174, %convert_element_type3A_172 : vector<1x2304xf32>
    %convert_element_type3A_176 = arith.truncf %add3A_153 : vector<1x2304xf32> to vector<1x2304xbf16>
    %convert_element_type3A_177 = arith.extf %convert_element_type3A_176 : vector<1x2304xbf16> to vector<1x2304xf32>
    %mul3A_178 = arith.constant -2.000000e+00 : f32
    %mul3A_179 = vector.broadcast %mul3A_178 : f32 to vector<1x2304xf32>
    %mul3A_180 = arith.mulf %mul3A_179, %convert_element_type3A_177 : vector<1x2304xf32>
    %broadcast_in_dim3A = arith.constant 1.000000e+00 : f32
    %broadcast_in_dim3A_181 = vector.broadcast %broadcast_in_dim3A : f32 to vector<1x2304xf32>
    %broadcast_in_dim3A_182 = arith.constant 0.000000e+00 : bf16
    %broadcast_in_dim3A_183 = vector.broadcast %broadcast_in_dim3A_182 : bf16 to vector<1x2304xbf16>
    %ge3A = arith.constant 0 : i32
    %ge3A_184 = vector.broadcast %ge3A : i32 to vector<1x2304xi32>
    %ge3A_185 = arith.cmpi sge, %iota3A, %ge3A_184 : vector<1x2304xi32>
    %lt3A = arith.constant 608 : i32
    %lt3A_186 = vector.broadcast %lt3A : i32 to vector<1x2304xi32>
    %lt3A_187 = arith.cmpi slt, %iota3A, %lt3A_186 : vector<1x2304xi32>
    %and3A = arith.andi %ge3A_185, %lt3A_187 : vector<1x2304xi1>
    %jit3A = arith.constant 0.000000e+00 : f32
    %broadcast_in_dim3A_188 = vector.broadcast %jit3A : f32 to vector<1x2304xf32>
    %select_n3A = arith.select %and3A, %mul3A_175, %broadcast_in_dim3A_188 : vector<1x2304xi1>, vector<1x2304xf32>
    %convert_element_type3A_189 = arith.truncf %select_n3A : vector<1x2304xf32> to vector<1x2304xbf16>
    %swap3A_190 = arith.constant 0 : index
    %swap3A_191 = arith.constant 0 : index
    %swap3A_192 = vector.load %arg10[%swap3A_190, %swap3A_191] : memref<24x2304xbf16, #tpu.memory_space<vmem>>, vector<1x2304xbf16>
    tpu.vector_store %arg10[%swap3A_190, %swap3A_191], %convert_element_type3A_189 {strides = array<i32>} : memref<24x2304xbf16, #tpu.memory_space<vmem>>, vector<1x2304xbf16>,
    %jit3A_193 = arith.constant 0.000000e+00 : f32
    %broadcast_in_dim3A_194 = vector.broadcast %jit3A_193 : f32 to vector<1x2304xf32>
    %select_n3A_195 = arith.select %and3A, %mul3A_180, %broadcast_in_dim3A_194 : vector<1x2304xi1>, vector<1x2304xf32>
    %convert_element_type3A_196 = arith.truncf %select_n3A_195 : vector<1x2304xf32> to vector<1x2304xbf16>
    %swap3A_197 = arith.constant 1 : index
    %swap3A_198 = arith.constant 0 : index
    %swap3A_199 = vector.load %arg10[%swap3A_197, %swap3A_198] : memref<24x2304xbf16, #tpu.memory_space<vmem>>, vector<1x2304xbf16>
    tpu.vector_store %arg10[%swap3A_197, %swap3A_198], %convert_element_type3A_196 {strides = array<i32>} : memref<24x2304xbf16, #tpu.memory_space<vmem>>, vector<1x2304xbf16>,
    %jit3A_200 = arith.constant 0.000000e+00 : f32
    %broadcast_in_dim3A_201 = vector.broadcast %jit3A_200 : f32 to vector<1x2304xf32>
    %select_n3A_202 = arith.select %and3A, %broadcast_in_dim3A_181, %broadcast_in_dim3A_201 : vector<1x2304xi1>, vector<1x2304xf32>
    %convert_element_type3A_203 = arith.truncf %select_n3A_202 : vector<1x2304xf32> to vector<1x2304xbf16>
    %swap3A_204 = arith.constant 2 : index
    %swap3A_205 = arith.constant 0 : index
    %swap3A_206 = vector.load %arg10[%swap3A_204, %swap3A_205] : memref<24x2304xbf16, #tpu.memory_space<vmem>>, vector<1x2304xbf16>
    tpu.vector_store %arg10[%swap3A_204, %swap3A_205], %convert_element_type3A_203 {strides = array<i32>} : memref<24x2304xbf16, #tpu.memory_space<vmem>>, vector<1x2304xbf16>,
    %swap3A_207 = arith.constant 3 : index
    %swap3A_208 = arith.constant 0 : index
    %swap3A_209 = vector.load %arg10[%swap3A_207, %swap3A_208] : memref<24x2304xbf16, #tpu.memory_space<vmem>>, vector<1x2304xbf16>
    tpu.vector_store %arg10[%swap3A_207, %swap3A_208], %convert_element_type3A_203 {strides = array<i32>} : memref<24x2304xbf16, #tpu.memory_space<vmem>>, vector<1x2304xbf16>,
    %swap3A_210 = arith.constant 4 : index
    %swap3A_211 = arith.constant 0 : index
    %swap3A_212 = vector.load %arg10[%swap3A_210, %swap3A_211] : memref<24x2304xbf16, #tpu.memory_space<vmem>>, vector<1x2304xbf16>
    tpu.vector_store %arg10[%swap3A_210, %swap3A_211], %convert_element_type3A_203 {strides = array<i32>} : memref<24x2304xbf16, #tpu.memory_space<vmem>>, vector<1x2304xbf16>,
    %ge3A_213 = arith.constant 608 : i32
    %ge3A_214 = vector.broadcast %ge3A_213 : i32 to vector<1x2304xi32>
    %ge3A_215 = arith.cmpi sge, %iota3A, %ge3A_214 : vector<1x2304xi32>
    %lt3A_216 = arith.constant 1312 : i32
    %lt3A_217 = vector.broadcast %lt3A_216 : i32 to vector<1x2304xi32>
    %lt3A_218 = arith.cmpi slt, %iota3A, %lt3A_217 : vector<1x2304xi32>
    %and3A_219 = arith.andi %ge3A_215, %lt3A_218 : vector<1x2304xi1>
    %jit3A_220 = arith.constant 0.000000e+00 : f32
    %broadcast_in_dim3A_221 = vector.broadcast %jit3A_220 : f32 to vector<1x2304xf32>
    %select_n3A_222 = arith.select %and3A_219, %mul3A_175, %broadcast_in_dim3A_221 : vector<1x2304xi1>, vector<1x2304xf32>
    %convert_element_type3A_223 = arith.truncf %select_n3A_222 : vector<1x2304xf32> to vector<1x2304xbf16>
    %swap3A_224 = arith.constant 5 : index
    %swap3A_225 = arith.constant 0 : index
    %swap3A_226 = vector.load %arg10[%swap3A_224, %swap3A_225] : memref<24x2304xbf16, #tpu.memory_space<vmem>>, vector<1x2304xbf16>
    tpu.vector_store %arg10[%swap3A_224, %swap3A_225], %convert_element_type3A_223 {strides = array<i32>} : memref<24x2304xbf16, #tpu.memory_space<vmem>>, vector<1x2304xbf16>,
    %jit3A_227 = arith.constant 0.000000e+00 : f32
    %broadcast_in_dim3A_228 = vector.broadcast %jit3A_227 : f32 to vector<1x2304xf32>
    %select_n3A_229 = arith.select %and3A_219, %mul3A_180, %broadcast_in_dim3A_228 : vector<1x2304xi1>, vector<1x2304xf32>
    %convert_element_type3A_230 = arith.truncf %select_n3A_229 : vector<1x2304xf32> to vector<1x2304xbf16>
    %swap3A_231 = arith.constant 6 : index
    %swap3A_232 = arith.constant 0 : index
    %swap3A_233 = vector.load %arg10[%swap3A_231, %swap3A_232] : memref<24x2304xbf16, #tpu.memory_space<vmem>>, vector<1x2304xbf16>
    tpu.vector_store %arg10[%swap3A_231, %swap3A_232], %convert_element_type3A_230 {strides = array<i32>} : memref<24x2304xbf16, #tpu.memory_space<vmem>>, vector<1x2304xbf16>,
    %jit3A_234 = arith.constant 0.000000e+00 : f32
    %broadcast_in_dim3A_235 = vector.broadcast %jit3A_234 : f32 to vector<1x2304xf32>
    %select_n3A_236 = arith.select %and3A_219, %broadcast_in_dim3A_181, %broadcast_in_dim3A_235 : vector<1x2304xi1>, vector<1x2304xf32>
    %convert_element_type3A_237 = arith.truncf %select_n3A_236 : vector<1x2304xf32> to vector<1x2304xbf16>
    %swap3A_238 = arith.constant 7 : index
    %swap3A_239 = arith.constant 0 : index
    %swap3A_240 = vector.load %arg10[%swap3A_238, %swap3A_239] : memref<24x2304xbf16, #tpu.memory_space<vmem>>, vector<1x2304xbf16>
    tpu.vector_store %arg10[%swap3A_238, %swap3A_239], %convert_element_type3A_237 {strides = array<i32>} : memref<24x2304xbf16, #tpu.memory_space<vmem>>, vector<1x2304xbf16>,
    %swap3A_241 = arith.constant 8 : index
    %swap3A_242 = arith.constant 0 : index
    %swap3A_243 = vector.load %arg10[%swap3A_241, %swap3A_242] : memref<24x2304xbf16, #tpu.memory_space<vmem>>, vector<1x2304xbf16>
    tpu.vector_store %arg10[%swap3A_241, %swap3A_242], %convert_element_type3A_237 {strides = array<i32>} : memref<24x2304xbf16, #tpu.memory_space<vmem>>, vector<1x2304xbf16>,
    %swap3A_244 = arith.constant 9 : index
    %swap3A_245 = arith.constant 0 : index
    %swap3A_246 = vector.load %arg10[%swap3A_244, %swap3A_245] : memref<24x2304xbf16, #tpu.memory_space<vmem>>, vector<1x2304xbf16>
    tpu.vector_store %arg10[%swap3A_244, %swap3A_245], %convert_element_type3A_237 {strides = array<i32>} : memref<24x2304xbf16, #tpu.memory_space<vmem>>, vector<1x2304xbf16>,
    %ge3A_247 = arith.constant 1312 : i32
    %ge3A_248 = vector.broadcast %ge3A_247 : i32 to vector<1x2304xi32>
    %ge3A_249 = arith.cmpi sge, %iota3A, %ge3A_248 : vector<1x2304xi32>
    %lt3A_250 = arith.constant 1728 : i32
    %lt3A_251 = vector.broadcast %lt3A_250 : i32 to vector<1x2304xi32>
    %lt3A_252 = arith.cmpi slt, %iota3A, %lt3A_251 : vector<1x2304xi32>
    %and3A_253 = arith.andi %ge3A_249, %lt3A_252 : vector<1x2304xi1>
    %jit3A_254 = arith.constant 0.000000e+00 : f32
    %broadcast_in_dim3A_255 = vector.broadcast %jit3A_254 : f32 to vector<1x2304xf32>
    %select_n3A_256 = arith.select %and3A_253, %mul3A_175, %broadcast_in_dim3A_255 : vector<1x2304xi1>, vector<1x2304xf32>
    %convert_element_type3A_257 = arith.truncf %select_n3A_256 : vector<1x2304xf32> to vector<1x2304xbf16>
    %swap3A_258 = arith.constant 10 : index
    %swap3A_259 = arith.constant 0 : index
    %swap3A_260 = vector.load %arg10[%swap3A_258, %swap3A_259] : memref<24x2304xbf16, #tpu.memory_space<vmem>>, vector<1x2304xbf16>
    tpu.vector_store %arg10[%swap3A_258, %swap3A_259], %convert_element_type3A_257 {strides = array<i32>} : memref<24x2304xbf16, #tpu.memory_space<vmem>>, vector<1x2304xbf16>,
    %jit3A_261 = arith.constant 0.000000e+00 : f32
    %broadcast_in_dim3A_262 = vector.broadcast %jit3A_261 : f32 to vector<1x2304xf32>
    %select_n3A_263 = arith.select %and3A_253, %mul3A_180, %broadcast_in_dim3A_262 : vector<1x2304xi1>, vector<1x2304xf32>
    %convert_element_type3A_264 = arith.truncf %select_n3A_263 : vector<1x2304xf32> to vector<1x2304xbf16>
    %swap3A_265 = arith.constant 11 : index
    %swap3A_266 = arith.constant 0 : index
    %swap3A_267 = vector.load %arg10[%swap3A_265, %swap3A_266] : memref<24x2304xbf16, #tpu.memory_space<vmem>>, vector<1x2304xbf16>
    tpu.vector_store %arg10[%swap3A_265, %swap3A_266], %convert_element_type3A_264 {strides = array<i32>} : memref<24x2304xbf16, #tpu.memory_space<vmem>>, vector<1x2304xbf16>,
    %jit3A_268 = arith.constant 0.000000e+00 : f32
    %broadcast_in_dim3A_269 = vector.broadcast %jit3A_268 : f32 to vector<1x2304xf32>
    %select_n3A_270 = arith.select %and3A_253, %broadcast_in_dim3A_181, %broadcast_in_dim3A_269 : vector<1x2304xi1>, vector<1x2304xf32>
    %convert_element_type3A_271 = arith.truncf %select_n3A_270 : vector<1x2304xf32> to vector<1x2304xbf16>
    %swap3A_272 = arith.constant 12 : index
    %swap3A_273 = arith.constant 0 : index
    %swap3A_274 = vector.load %arg10[%swap3A_272, %swap3A_273] : memref<24x2304xbf16, #tpu.memory_space<vmem>>, vector<1x2304xbf16>
    tpu.vector_store %arg10[%swap3A_272, %swap3A_273], %convert_element_type3A_271 {strides = array<i32>} : memref<24x2304xbf16, #tpu.memory_space<vmem>>, vector<1x2304xbf16>,
    %swap3A_275 = arith.constant 13 : index
    %swap3A_276 = arith.constant 0 : index
    %swap3A_277 = vector.load %arg10[%swap3A_275, %swap3A_276] : memref<24x2304xbf16, #tpu.memory_space<vmem>>, vector<1x2304xbf16>
    tpu.vector_store %arg10[%swap3A_275, %swap3A_276], %convert_element_type3A_271 {strides = array<i32>} : memref<24x2304xbf16, #tpu.memory_space<vmem>>, vector<1x2304xbf16>,
    %swap3A_278 = arith.constant 14 : index
    %swap3A_279 = arith.constant 0 : index
    %swap3A_280 = vector.load %arg10[%swap3A_278, %swap3A_279] : memref<24x2304xbf16, #tpu.memory_space<vmem>>, vector<1x2304xbf16>
    tpu.vector_store %arg10[%swap3A_278, %swap3A_279], %convert_element_type3A_271 {strides = array<i32>} : memref<24x2304xbf16, #tpu.memory_space<vmem>>, vector<1x2304xbf16>,
    %ge3A_281 = arith.constant 1728 : i32
    %ge3A_282 = vector.broadcast %ge3A_281 : i32 to vector<1x2304xi32>
    %ge3A_283 = arith.cmpi sge, %iota3A, %ge3A_282 : vector<1x2304xi32>
    %lt3A_284 = arith.constant 2304 : i32
    %lt3A_285 = vector.broadcast %lt3A_284 : i32 to vector<1x2304xi32>
    %lt3A_286 = arith.cmpi slt, %iota3A, %lt3A_285 : vector<1x2304xi32>
    %and3A_287 = arith.andi %ge3A_283, %lt3A_286 : vector<1x2304xi1>
    %jit3A_288 = arith.constant 0.000000e+00 : f32
    %broadcast_in_dim3A_289 = vector.broadcast %jit3A_288 : f32 to vector<1x2304xf32>
    %select_n3A_290 = arith.select %and3A_287, %mul3A_175, %broadcast_in_dim3A_289 : vector<1x2304xi1>, vector<1x2304xf32>
    %convert_element_type3A_291 = arith.truncf %select_n3A_290 : vector<1x2304xf32> to vector<1x2304xbf16>
    %swap3A_292 = arith.constant 15 : index
    %swap3A_293 = arith.constant 0 : index
    %swap3A_294 = vector.load %arg10[%swap3A_292, %swap3A_293] : memref<24x2304xbf16, #tpu.memory_space<vmem>>, vector<1x2304xbf16>
    tpu.vector_store %arg10[%swap3A_292, %swap3A_293], %convert_element_type3A_291 {strides = array<i32>} : memref<24x2304xbf16, #tpu.memory_space<vmem>>, vector<1x2304xbf16>,
    %jit3A_295 = arith.constant 0.000000e+00 : f32
    %broadcast_in_dim3A_296 = vector.broadcast %jit3A_295 : f32 to vector<1x2304xf32>
    %select_n3A_297 = arith.select %and3A_287, %mul3A_180, %broadcast_in_dim3A_296 : vector<1x2304xi1>, vector<1x2304xf32>
    %convert_element_type3A_298 = arith.truncf %select_n3A_297 : vector<1x2304xf32> to vector<1x2304xbf16>
    %swap3A_299 = arith.constant 16 : index
    %swap3A_300 = arith.constant 0 : index
    %swap3A_301 = vector.load %arg10[%swap3A_299, %swap3A_300] : memref<24x2304xbf16, #tpu.memory_space<vmem>>, vector<1x2304xbf16>
    tpu.vector_store %arg10[%swap3A_299, %swap3A_300], %convert_element_type3A_298 {strides = array<i32>} : memref<24x2304xbf16, #tpu.memory_space<vmem>>, vector<1x2304xbf16>,
    %jit3A_302 = arith.constant 0.000000e+00 : f32
    %broadcast_in_dim3A_303 = vector.broadcast %jit3A_302 : f32 to vector<1x2304xf32>
    %select_n3A_304 = arith.select %and3A_287, %broadcast_in_dim3A_181, %broadcast_in_dim3A_303 : vector<1x2304xi1>, vector<1x2304xf32>
    %convert_element_type3A_305 = arith.truncf %select_n3A_304 : vector<1x2304xf32> to vector<1x2304xbf16>
    %swap3A_306 = arith.constant 17 : index
    %swap3A_307 = arith.constant 0 : index
    %swap3A_308 = vector.load %arg10[%swap3A_306, %swap3A_307] : memref<24x2304xbf16, #tpu.memory_space<vmem>>, vector<1x2304xbf16>
    tpu.vector_store %arg10[%swap3A_306, %swap3A_307], %convert_element_type3A_305 {strides = array<i32>} : memref<24x2304xbf16, #tpu.memory_space<vmem>>, vector<1x2304xbf16>,
    %swap3A_309 = arith.constant 18 : index
    %swap3A_310 = arith.constant 0 : index
    %swap3A_311 = vector.load %arg10[%swap3A_309, %swap3A_310] : memref<24x2304xbf16, #tpu.memory_space<vmem>>, vector<1x2304xbf16>
    tpu.vector_store %arg10[%swap3A_309, %swap3A_310], %convert_element_type3A_305 {strides = array<i32>} : memref<24x2304xbf16, #tpu.memory_space<vmem>>, vector<1x2304xbf16>,
    %swap3A_312 = arith.constant 19 : index
    %swap3A_313 = arith.constant 0 : index
    %swap3A_314 = vector.load %arg10[%swap3A_312, %swap3A_313] : memref<24x2304xbf16, #tpu.memory_space<vmem>>, vector<1x2304xbf16>
    tpu.vector_store %arg10[%swap3A_312, %swap3A_313], %convert_element_type3A_305 {strides = array<i32>} : memref<24x2304xbf16, #tpu.memory_space<vmem>>, vector<1x2304xbf16>,
    %swap3A_315 = arith.constant 20 : index
    %swap3A_316 = arith.constant 0 : index
    %swap3A_317 = vector.load %arg10[%swap3A_315, %swap3A_316] : memref<24x2304xbf16, #tpu.memory_space<vmem>>, vector<1x2304xbf16>
    tpu.vector_store %arg10[%swap3A_315, %swap3A_316], %broadcast_in_dim3A_183 {strides = array<i32>} : memref<24x2304xbf16, #tpu.memory_space<vmem>>, vector<1x2304xbf16>,
    %swap3A_318 = arith.constant 21 : index
    %swap3A_319 = arith.constant 0 : index
    %swap3A_320 = vector.load %arg10[%swap3A_318, %swap3A_319] : memref<24x2304xbf16, #tpu.memory_space<vmem>>, vector<1x2304xbf16>
    tpu.vector_store %arg10[%swap3A_318, %swap3A_319], %broadcast_in_dim3A_183 {strides = array<i32>} : memref<24x2304xbf16, #tpu.memory_space<vmem>>, vector<1x2304xbf16>,
    %swap3A_321 = arith.constant 22 : index
    %swap3A_322 = arith.constant 0 : index
    %swap3A_323 = vector.load %arg10[%swap3A_321, %swap3A_322] : memref<24x2304xbf16, #tpu.memory_space<vmem>>, vector<1x2304xbf16>
    tpu.vector_store %arg10[%swap3A_321, %swap3A_322], %broadcast_in_dim3A_183 {strides = array<i32>} : memref<24x2304xbf16, #tpu.memory_space<vmem>>, vector<1x2304xbf16>,
    %swap3A_324 = arith.constant 23 : index
    %swap3A_325 = arith.constant 0 : index
    %swap3A_326 = vector.load %arg10[%swap3A_324, %swap3A_325] : memref<24x2304xbf16, #tpu.memory_space<vmem>>, vector<1x2304xbf16>
    tpu.vector_store %arg10[%swap3A_324, %swap3A_325], %broadcast_in_dim3A_183 {strides = array<i32>} : memref<24x2304xbf16, #tpu.memory_space<vmem>>, vector<1x2304xbf16>,
    %broadcast_in_dim3A_327 = arith.constant 0.000000e+00 : bf16
    %broadcast_in_dim3A_328 = vector.broadcast %broadcast_in_dim3A_327 : bf16 to vector<1x2048xbf16>
    %get3A_329 = arith.constant 0 : index
    %get3A_330 = arith.constant 0 : index
    %get3A_331 = arith.constant 0 : index
    %get3A_332 = vector.load %arg4[%get3A_329, %get3A_330, %get3A_331] : memref<1x2x2048xf32, #tpu.memory_space<vmem>>, vector<1x1x2048xf32>
    %get3A_333 = vector.shape_cast %get3A_332 : vector<1x1x2048xf32> to vector<1x2048xf32>
    %get3A_334 = arith.constant 0 : index
    %get3A_335 = arith.constant 1 : index
    %get3A_336 = arith.constant 0 : index
    %get3A_337 = vector.load %arg4[%get3A_334, %get3A_335, %get3A_336] : memref<1x2x2048xf32, #tpu.memory_space<vmem>>, vector<1x1x2048xf32>
    %get3A_338 = vector.shape_cast %get3A_337 : vector<1x1x2048xf32> to vector<1x2048xf32>
    %mul3A_339 = arith.mulf %get3A_333, %get3A_333 : vector<1x2048xf32>
    %mul3A_340 = arith.mulf %get3A_338, %get3A_338 : vector<1x2048xf32>
    %add3A_341 = arith.addf %mul3A_339, %mul3A_340 : vector<1x2048xf32>
    %convert_element_type3A_342 = arith.truncf %add3A_341 : vector<1x2048xf32> to vector<1x2048xbf16>
    %convert_element_type3A_343 = arith.extf %convert_element_type3A_342 : vector<1x2048xbf16> to vector<1x2048xf32>
    %sub3A_344 = arith.subf %add3A_341, %convert_element_type3A_343 : vector<1x2048xf32>
    %convert_element_type3A_345 = arith.truncf %sub3A_344 : vector<1x2048xf32> to vector<1x2048xbf16>
    %convert_element_type3A_346 = arith.extf %convert_element_type3A_345 : vector<1x2048xbf16> to vector<1x2048xf32>
    %sub3A_347 = arith.subf %add3A_341, %convert_element_type3A_343 : vector<1x2048xf32>
    %sub3A_348 = arith.subf %sub3A_347, %convert_element_type3A_346 : vector<1x2048xf32>
    %convert_element_type3A_349 = arith.truncf %get3A_333 : vector<1x2048xf32> to vector<1x2048xbf16>
    %swap3A_350 = arith.constant 0 : index
    %swap3A_351 = arith.constant 0 : index
    %swap3A_352 = vector.load %arg11[%swap3A_350, %swap3A_351] : memref<24x2048xbf16, #tpu.memory_space<vmem>>, vector<1x2048xbf16>
    tpu.vector_store %arg11[%swap3A_350, %swap3A_351], %convert_element_type3A_349 {strides = array<i32>} : memref<24x2048xbf16, #tpu.memory_space<vmem>>, vector<1x2048xbf16>,
    %convert_element_type3A_353 = arith.truncf %get3A_338 : vector<1x2048xf32> to vector<1x2048xbf16>
    %swap3A_354 = arith.constant 1 : index
    %swap3A_355 = arith.constant 0 : index
    %swap3A_356 = vector.load %arg11[%swap3A_354, %swap3A_355] : memref<24x2048xbf16, #tpu.memory_space<vmem>>, vector<1x2048xbf16>
    tpu.vector_store %arg11[%swap3A_354, %swap3A_355], %convert_element_type3A_353 {strides = array<i32>} : memref<24x2048xbf16, #tpu.memory_space<vmem>>, vector<1x2048xbf16>,
    %convert_element_type3A_357 = arith.truncf %convert_element_type3A_343 : vector<1x2048xf32> to vector<1x2048xbf16>
    %swap3A_358 = arith.constant 2 : index
    %swap3A_359 = arith.constant 0 : index
    %swap3A_360 = vector.load %arg11[%swap3A_358, %swap3A_359] : memref<24x2048xbf16, #tpu.memory_space<vmem>>, vector<1x2048xbf16>
    tpu.vector_store %arg11[%swap3A_358, %swap3A_359], %convert_element_type3A_357 {strides = array<i32>} : memref<24x2048xbf16, #tpu.memory_space<vmem>>, vector<1x2048xbf16>,
    %convert_element_type3A_361 = arith.truncf %convert_element_type3A_346 : vector<1x2048xf32> to vector<1x2048xbf16>
    %swap3A_362 = arith.constant 3 : index
    %swap3A_363 = arith.constant 0 : index
    %swap3A_364 = vector.load %arg11[%swap3A_362, %swap3A_363] : memref<24x2048xbf16, #tpu.memory_space<vmem>>, vector<1x2048xbf16>
    tpu.vector_store %arg11[%swap3A_362, %swap3A_363], %convert_element_type3A_361 {strides = array<i32>} : memref<24x2048xbf16, #tpu.memory_space<vmem>>, vector<1x2048xbf16>,
    %convert_element_type3A_365 = arith.truncf %sub3A_348 : vector<1x2048xf32> to vector<1x2048xbf16>
    %swap3A_366 = arith.constant 4 : index
    %swap3A_367 = arith.constant 0 : index
    %swap3A_368 = vector.load %arg11[%swap3A_366, %swap3A_367] : memref<24x2048xbf16, #tpu.memory_space<vmem>>, vector<1x2048xbf16>
    tpu.vector_store %arg11[%swap3A_366, %swap3A_367], %convert_element_type3A_365 {strides = array<i32>} : memref<24x2048xbf16, #tpu.memory_space<vmem>>, vector<1x2048xbf16>,
    %get3A_369 = arith.constant 0 : index
    %get3A_370 = arith.constant 0 : index
    %get3A_371 = arith.constant 0 : index
    %get3A_372 = vector.load %arg5[%get3A_369, %get3A_370, %get3A_371] : memref<1x2x2048xf32, #tpu.memory_space<vmem>>, vector<1x1x2048xf32>
    %get3A_373 = vector.shape_cast %get3A_372 : vector<1x1x2048xf32> to vector<1x2048xf32>
    %get3A_374 = arith.constant 0 : index
    %get3A_375 = arith.constant 1 : index
    %get3A_376 = arith.constant 0 : index
    %get3A_377 = vector.load %arg5[%get3A_374, %get3A_375, %get3A_376] : memref<1x2x2048xf32, #tpu.memory_space<vmem>>, vector<1x1x2048xf32>
    %get3A_378 = vector.shape_cast %get3A_377 : vector<1x1x2048xf32> to vector<1x2048xf32>
    %mul3A_379 = arith.mulf %get3A_373, %get3A_373 : vector<1x2048xf32>
    %mul3A_380 = arith.mulf %get3A_378, %get3A_378 : vector<1x2048xf32>
    %add3A_381 = arith.addf %mul3A_379, %mul3A_380 : vector<1x2048xf32>
    %convert_element_type3A_382 = arith.truncf %add3A_381 : vector<1x2048xf32> to vector<1x2048xbf16>
    %convert_element_type3A_383 = arith.extf %convert_element_type3A_382 : vector<1x2048xbf16> to vector<1x2048xf32>
    %sub3A_384 = arith.subf %add3A_381, %convert_element_type3A_383 : vector<1x2048xf32>
    %convert_element_type3A_385 = arith.truncf %sub3A_384 : vector<1x2048xf32> to vector<1x2048xbf16>
    %convert_element_type3A_386 = arith.extf %convert_element_type3A_385 : vector<1x2048xbf16> to vector<1x2048xf32>
    %sub3A_387 = arith.subf %add3A_381, %convert_element_type3A_383 : vector<1x2048xf32>
    %sub3A_388 = arith.subf %sub3A_387, %convert_element_type3A_386 : vector<1x2048xf32>
    %convert_element_type3A_389 = arith.truncf %get3A_373 : vector<1x2048xf32> to vector<1x2048xbf16>
    %swap3A_390 = arith.constant 5 : index
    %swap3A_391 = arith.constant 0 : index
    %swap3A_392 = vector.load %arg11[%swap3A_390, %swap3A_391] : memref<24x2048xbf16, #tpu.memory_space<vmem>>, vector<1x2048xbf16>
    tpu.vector_store %arg11[%swap3A_390, %swap3A_391], %convert_element_type3A_389 {strides = array<i32>} : memref<24x2048xbf16, #tpu.memory_space<vmem>>, vector<1x2048xbf16>,
    %convert_element_type3A_393 = arith.truncf %get3A_378 : vector<1x2048xf32> to vector<1x2048xbf16>
    %swap3A_394 = arith.constant 6 : index
    %swap3A_395 = arith.constant 0 : index
    %swap3A_396 = vector.load %arg11[%swap3A_394, %swap3A_395] : memref<24x2048xbf16, #tpu.memory_space<vmem>>, vector<1x2048xbf16>
    tpu.vector_store %arg11[%swap3A_394, %swap3A_395], %convert_element_type3A_393 {strides = array<i32>} : memref<24x2048xbf16, #tpu.memory_space<vmem>>, vector<1x2048xbf16>,
    %convert_element_type3A_397 = arith.truncf %convert_element_type3A_383 : vector<1x2048xf32> to vector<1x2048xbf16>
    %swap3A_398 = arith.constant 7 : index
    %swap3A_399 = arith.constant 0 : index
    %swap3A_400 = vector.load %arg11[%swap3A_398, %swap3A_399] : memref<24x2048xbf16, #tpu.memory_space<vmem>>, vector<1x2048xbf16>
    tpu.vector_store %arg11[%swap3A_398, %swap3A_399], %convert_element_type3A_397 {strides = array<i32>} : memref<24x2048xbf16, #tpu.memory_space<vmem>>, vector<1x2048xbf16>,
    %convert_element_type3A_401 = arith.truncf %convert_element_type3A_386 : vector<1x2048xf32> to vector<1x2048xbf16>
    %swap3A_402 = arith.constant 8 : index
    %swap3A_403 = arith.constant 0 : index
    %swap3A_404 = vector.load %arg11[%swap3A_402, %swap3A_403] : memref<24x2048xbf16, #tpu.memory_space<vmem>>, vector<1x2048xbf16>
    tpu.vector_store %arg11[%swap3A_402, %swap3A_403], %convert_element_type3A_401 {strides = array<i32>} : memref<24x2048xbf16, #tpu.memory_space<vmem>>, vector<1x2048xbf16>,
    %convert_element_type3A_405 = arith.truncf %sub3A_388 : vector<1x2048xf32> to vector<1x2048xbf16>
    %swap3A_406 = arith.constant 9 : index
    %swap3A_407 = arith.constant 0 : index
    %swap3A_408 = vector.load %arg11[%swap3A_406, %swap3A_407] : memref<24x2048xbf16, #tpu.memory_space<vmem>>, vector<1x2048xbf16>
    tpu.vector_store %arg11[%swap3A_406, %swap3A_407], %convert_element_type3A_405 {strides = array<i32>} : memref<24x2048xbf16, #tpu.memory_space<vmem>>, vector<1x2048xbf16>,
    %get3A_409 = arith.constant 0 : index
    %get3A_410 = arith.constant 0 : index
    %get3A_411 = arith.constant 0 : index
    %get3A_412 = vector.load %arg6[%get3A_409, %get3A_410, %get3A_411] : memref<1x2x2048xf32, #tpu.memory_space<vmem>>, vector<1x1x2048xf32>
    %get3A_413 = vector.shape_cast %get3A_412 : vector<1x1x2048xf32> to vector<1x2048xf32>
    %get3A_414 = arith.constant 0 : index
    %get3A_415 = arith.constant 1 : index
    %get3A_416 = arith.constant 0 : index
    %get3A_417 = vector.load %arg6[%get3A_414, %get3A_415, %get3A_416] : memref<1x2x2048xf32, #tpu.memory_space<vmem>>, vector<1x1x2048xf32>
    %get3A_418 = vector.shape_cast %get3A_417 : vector<1x1x2048xf32> to vector<1x2048xf32>
    %mul3A_419 = arith.mulf %get3A_413, %get3A_413 : vector<1x2048xf32>
    %mul3A_420 = arith.mulf %get3A_418, %get3A_418 : vector<1x2048xf32>
    %add3A_421 = arith.addf %mul3A_419, %mul3A_420 : vector<1x2048xf32>
    %convert_element_type3A_422 = arith.truncf %add3A_421 : vector<1x2048xf32> to vector<1x2048xbf16>
    %convert_element_type3A_423 = arith.extf %convert_element_type3A_422 : vector<1x2048xbf16> to vector<1x2048xf32>
    %sub3A_424 = arith.subf %add3A_421, %convert_element_type3A_423 : vector<1x2048xf32>
    %convert_element_type3A_425 = arith.truncf %sub3A_424 : vector<1x2048xf32> to vector<1x2048xbf16>
    %convert_element_type3A_426 = arith.extf %convert_element_type3A_425 : vector<1x2048xbf16> to vector<1x2048xf32>
    %sub3A_427 = arith.subf %add3A_421, %convert_element_type3A_423 : vector<1x2048xf32>
    %sub3A_428 = arith.subf %sub3A_427, %convert_element_type3A_426 : vector<1x2048xf32>
    %convert_element_type3A_429 = arith.truncf %get3A_413 : vector<1x2048xf32> to vector<1x2048xbf16>
    %swap3A_430 = arith.constant 10 : index
    %swap3A_431 = arith.constant 0 : index
    %swap3A_432 = vector.load %arg11[%swap3A_430, %swap3A_431] : memref<24x2048xbf16, #tpu.memory_space<vmem>>, vector<1x2048xbf16>
    tpu.vector_store %arg11[%swap3A_430, %swap3A_431], %convert_element_type3A_429 {strides = array<i32>} : memref<24x2048xbf16, #tpu.memory_space<vmem>>, vector<1x2048xbf16>,
    %convert_element_type3A_433 = arith.truncf %get3A_418 : vector<1x2048xf32> to vector<1x2048xbf16>
    %swap3A_434 = arith.constant 11 : index
    %swap3A_435 = arith.constant 0 : index
    %swap3A_436 = vector.load %arg11[%swap3A_434, %swap3A_435] : memref<24x2048xbf16, #tpu.memory_space<vmem>>, vector<1x2048xbf16>
    tpu.vector_store %arg11[%swap3A_434, %swap3A_435], %convert_element_type3A_433 {strides = array<i32>} : memref<24x2048xbf16, #tpu.memory_space<vmem>>, vector<1x2048xbf16>,
    %convert_element_type3A_437 = arith.truncf %convert_element_type3A_423 : vector<1x2048xf32> to vector<1x2048xbf16>
    %swap3A_438 = arith.constant 12 : index
    %swap3A_439 = arith.constant 0 : index
    %swap3A_440 = vector.load %arg11[%swap3A_438, %swap3A_439] : memref<24x2048xbf16, #tpu.memory_space<vmem>>, vector<1x2048xbf16>
    tpu.vector_store %arg11[%swap3A_438, %swap3A_439], %convert_element_type3A_437 {strides = array<i32>} : memref<24x2048xbf16, #tpu.memory_space<vmem>>, vector<1x2048xbf16>,
    %convert_element_type3A_441 = arith.truncf %convert_element_type3A_426 : vector<1x2048xf32> to vector<1x2048xbf16>
    %swap3A_442 = arith.constant 13 : index
    %swap3A_443 = arith.constant 0 : index
    %swap3A_444 = vector.load %arg11[%swap3A_442, %swap3A_443] : memref<24x2048xbf16, #tpu.memory_space<vmem>>, vector<1x2048xbf16>
    tpu.vector_store %arg11[%swap3A_442, %swap3A_443], %convert_element_type3A_441 {strides = array<i32>} : memref<24x2048xbf16, #tpu.memory_space<vmem>>, vector<1x2048xbf16>,
    %convert_element_type3A_445 = arith.truncf %sub3A_428 : vector<1x2048xf32> to vector<1x2048xbf16>
    %swap3A_446 = arith.constant 14 : index
    %swap3A_447 = arith.constant 0 : index
    %swap3A_448 = vector.load %arg11[%swap3A_446, %swap3A_447] : memref<24x2048xbf16, #tpu.memory_space<vmem>>, vector<1x2048xbf16>
    tpu.vector_store %arg11[%swap3A_446, %swap3A_447], %convert_element_type3A_445 {strides = array<i32>} : memref<24x2048xbf16, #tpu.memory_space<vmem>>, vector<1x2048xbf16>,
    %get3A_449 = arith.constant 0 : index
    %get3A_450 = arith.constant 0 : index
    %get3A_451 = arith.constant 0 : index
    %get3A_452 = vector.load %arg7[%get3A_449, %get3A_450, %get3A_451] : memref<1x2x2048xf32, #tpu.memory_space<vmem>>, vector<1x1x2048xf32>
    %get3A_453 = vector.shape_cast %get3A_452 : vector<1x1x2048xf32> to vector<1x2048xf32>
    %get3A_454 = arith.constant 0 : index
    %get3A_455 = arith.constant 1 : index
    %get3A_456 = arith.constant 0 : index
    %get3A_457 = vector.load %arg7[%get3A_454, %get3A_455, %get3A_456] : memref<1x2x2048xf32, #tpu.memory_space<vmem>>, vector<1x1x2048xf32>
    %get3A_458 = vector.shape_cast %get3A_457 : vector<1x1x2048xf32> to vector<1x2048xf32>
    %mul3A_459 = arith.mulf %get3A_453, %get3A_453 : vector<1x2048xf32>
    %mul3A_460 = arith.mulf %get3A_458, %get3A_458 : vector<1x2048xf32>
    %add3A_461 = arith.addf %mul3A_459, %mul3A_460 : vector<1x2048xf32>
    %convert_element_type3A_462 = arith.truncf %add3A_461 : vector<1x2048xf32> to vector<1x2048xbf16>
    %convert_element_type3A_463 = arith.extf %convert_element_type3A_462 : vector<1x2048xbf16> to vector<1x2048xf32>
    %sub3A_464 = arith.subf %add3A_461, %convert_element_type3A_463 : vector<1x2048xf32>
    %convert_element_type3A_465 = arith.truncf %sub3A_464 : vector<1x2048xf32> to vector<1x2048xbf16>
    %convert_element_type3A_466 = arith.extf %convert_element_type3A_465 : vector<1x2048xbf16> to vector<1x2048xf32>
    %sub3A_467 = arith.subf %add3A_461, %convert_element_type3A_463 : vector<1x2048xf32>
    %sub3A_468 = arith.subf %sub3A_467, %convert_element_type3A_466 : vector<1x2048xf32>
    %convert_element_type3A_469 = arith.truncf %get3A_453 : vector<1x2048xf32> to vector<1x2048xbf16>
    %swap3A_470 = arith.constant 15 : index
    %swap3A_471 = arith.constant 0 : index
    %swap3A_472 = vector.load %arg11[%swap3A_470, %swap3A_471] : memref<24x2048xbf16, #tpu.memory_space<vmem>>, vector<1x2048xbf16>
    tpu.vector_store %arg11[%swap3A_470, %swap3A_471], %convert_element_type3A_469 {strides = array<i32>} : memref<24x2048xbf16, #tpu.memory_space<vmem>>, vector<1x2048xbf16>,
    %convert_element_type3A_473 = arith.truncf %get3A_458 : vector<1x2048xf32> to vector<1x2048xbf16>
    %swap3A_474 = arith.constant 16 : index
    %swap3A_475 = arith.constant 0 : index
    %swap3A_476 = vector.load %arg11[%swap3A_474, %swap3A_475] : memref<24x2048xbf16, #tpu.memory_space<vmem>>, vector<1x2048xbf16>
    tpu.vector_store %arg11[%swap3A_474, %swap3A_475], %convert_element_type3A_473 {strides = array<i32>} : memref<24x2048xbf16, #tpu.memory_space<vmem>>, vector<1x2048xbf16>,
    %convert_element_type3A_477 = arith.truncf %convert_element_type3A_463 : vector<1x2048xf32> to vector<1x2048xbf16>
    %swap3A_478 = arith.constant 17 : index
    %swap3A_479 = arith.constant 0 : index
    %swap3A_480 = vector.load %arg11[%swap3A_478, %swap3A_479] : memref<24x2048xbf16, #tpu.memory_space<vmem>>, vector<1x2048xbf16>
    tpu.vector_store %arg11[%swap3A_478, %swap3A_479], %convert_element_type3A_477 {strides = array<i32>} : memref<24x2048xbf16, #tpu.memory_space<vmem>>, vector<1x2048xbf16>,
    %convert_element_type3A_481 = arith.truncf %convert_element_type3A_466 : vector<1x2048xf32> to vector<1x2048xbf16>
    %swap3A_482 = arith.constant 18 : index
    %swap3A_483 = arith.constant 0 : index
    %swap3A_484 = vector.load %arg11[%swap3A_482, %swap3A_483] : memref<24x2048xbf16, #tpu.memory_space<vmem>>, vector<1x2048xbf16>
    tpu.vector_store %arg11[%swap3A_482, %swap3A_483], %convert_element_type3A_481 {strides = array<i32>} : memref<24x2048xbf16, #tpu.memory_space<vmem>>, vector<1x2048xbf16>,
    %convert_element_type3A_485 = arith.truncf %sub3A_468 : vector<1x2048xf32> to vector<1x2048xbf16>
    %swap3A_486 = arith.constant 19 : index
    %swap3A_487 = arith.constant 0 : index
    %swap3A_488 = vector.load %arg11[%swap3A_486, %swap3A_487] : memref<24x2048xbf16, #tpu.memory_space<vmem>>, vector<1x2048xbf16>
    tpu.vector_store %arg11[%swap3A_486, %swap3A_487], %convert_element_type3A_485 {strides = array<i32>} : memref<24x2048xbf16, #tpu.memory_space<vmem>>, vector<1x2048xbf16>,
    %swap3A_489 = arith.constant 20 : index
    %swap3A_490 = arith.constant 0 : index
    %swap3A_491 = vector.load %arg11[%swap3A_489, %swap3A_490] : memref<24x2048xbf16, #tpu.memory_space<vmem>>, vector<1x2048xbf16>
    tpu.vector_store %arg11[%swap3A_489, %swap3A_490], %broadcast_in_dim3A_328 {strides = array<i32>} : memref<24x2048xbf16, #tpu.memory_space<vmem>>, vector<1x2048xbf16>,
    %swap3A_492 = arith.constant 21 : index
    %swap3A_493 = arith.constant 0 : index
    %swap3A_494 = vector.load %arg11[%swap3A_492, %swap3A_493] : memref<24x2048xbf16, #tpu.memory_space<vmem>>, vector<1x2048xbf16>
    tpu.vector_store %arg11[%swap3A_492, %swap3A_493], %broadcast_in_dim3A_328 {strides = array<i32>} : memref<24x2048xbf16, #tpu.memory_space<vmem>>, vector<1x2048xbf16>,
    %swap3A_495 = arith.constant 22 : index
    %swap3A_496 = arith.constant 0 : index
    %swap3A_497 = vector.load %arg11[%swap3A_495, %swap3A_496] : memref<24x2048xbf16, #tpu.memory_space<vmem>>, vector<1x2048xbf16>
    tpu.vector_store %arg11[%swap3A_495, %swap3A_496], %broadcast_in_dim3A_328 {strides = array<i32>} : memref<24x2048xbf16, #tpu.memory_space<vmem>>, vector<1x2048xbf16>,
    %swap3A_498 = arith.constant 23 : index
    %swap3A_499 = arith.constant 0 : index
    %swap3A_500 = vector.load %arg11[%swap3A_498, %swap3A_499] : memref<24x2048xbf16, #tpu.memory_space<vmem>>, vector<1x2048xbf16>
    tpu.vector_store %arg11[%swap3A_498, %swap3A_499], %broadcast_in_dim3A_328 {strides = array<i32>} : memref<24x2048xbf16, #tpu.memory_space<vmem>>, vector<1x2048xbf16>,
    %broadcast_in_dim3A_501 = arith.constant 0.000000e+00 : f32
    %broadcast_in_dim3A_502 = vector.broadcast %broadcast_in_dim3A_501 : f32 to vector<1x256xf32>
    %get3A_503 = arith.constant 0 : index
    %get3A_504 = arith.constant 0 : index
    %get3A_505 = vector.load %arg10[%get3A_503, %get3A_504] : memref<24x2304xbf16, #tpu.memory_space<vmem>>, vector<24x256xbf16>
    %get3A_506 = arith.constant 0 : index
    %get3A_507 = arith.constant 0 : index
    %get3A_508 = vector.load %arg11[%get3A_506, %get3A_507] : memref<24x2048xbf16, #tpu.memory_space<vmem>>, vector<24x256xbf16>
    %dot_general3A = arith.constant dense<0.000000e+00> : vector<256x256xf32>
    %dot_general3A_509 = tpu.matmul %get3A_508, %get3A_505, %dot_general3A {dimension_numbers = #tpu.dot_dimension_numbers<[0], [0], [1], [1], [0, 1, 1, 1], [], []>, transpose_lhs_hint = false} : vector<24x256xbf16>, vector<24x256xbf16>, vector<256x256xf32> -> vector<256x256xf32>
    %reduce_min3A = arith.constant dense<0x7F800000> : vector<256xf32>
    %reduce_min3A_510 = vector.multi_reduction <minimumf>, %dot_general3A_509, %reduce_min3A [0] : vector<256x256xf32> to vector<256xf32>
    %broadcast_in_dim3A_511 = vector.shape_cast %reduce_min3A_510 : vector<256xf32> to vector<1x256xf32>
    %get3A_512 = arith.constant 0 : index
    %get3A_513 = arith.constant 256 : index
    %get3A_514 = vector.load %arg11[%get3A_512, %get3A_513] : memref<24x2048xbf16, #tpu.memory_space<vmem>>, vector<24x256xbf16>
    %dot_general3A_515 = arith.constant dense<0.000000e+00> : vector<256x256xf32>
    %dot_general3A_516 = tpu.matmul %get3A_514, %get3A_505, %dot_general3A_515 {dimension_numbers = #tpu.dot_dimension_numbers<[0], [0], [1], [1], [0, 1, 1, 1], [], []>, transpose_lhs_hint = false} : vector<24x256xbf16>, vector<24x256xbf16>, vector<256x256xf32> -> vector<256x256xf32>
    %reduce_min3A_517 = arith.constant dense<0x7F800000> : vector<256xf32>
    %reduce_min3A_518 = vector.multi_reduction <minimumf>, %dot_general3A_516, %reduce_min3A_517 [0] : vector<256x256xf32> to vector<256xf32>
    %broadcast_in_dim3A_519 = vector.shape_cast %reduce_min3A_518 : vector<256xf32> to vector<1x256xf32>
    %min3A = arith.minimumf %broadcast_in_dim3A_511, %broadcast_in_dim3A_519 : vector<1x256xf32>
    %get3A_520 = arith.constant 0 : index
    %get3A_521 = arith.constant 512 : index
    %get3A_522 = vector.load %arg11[%get3A_520, %get3A_521] : memref<24x2048xbf16, #tpu.memory_space<vmem>>, vector<24x256xbf16>
    %dot_general3A_523 = arith.constant dense<0.000000e+00> : vector<256x256xf32>
    %dot_general3A_524 = tpu.matmul %get3A_522, %get3A_505, %dot_general3A_523 {dimension_numbers = #tpu.dot_dimension_numbers<[0], [0], [1], [1], [0, 1, 1, 1], [], []>, transpose_lhs_hint = false} : vector<24x256xbf16>, vector<24x256xbf16>, vector<256x256xf32> -> vector<256x256xf32>
    %reduce_min3A_525 = arith.constant dense<0x7F800000> : vector<256xf32>
    %reduce_min3A_526 = vector.multi_reduction <minimumf>, %dot_general3A_524, %reduce_min3A_525 [0] : vector<256x256xf32> to vector<256xf32>
    %broadcast_in_dim3A_527 = vector.shape_cast %reduce_min3A_526 : vector<256xf32> to vector<1x256xf32>
    %min3A_528 = arith.minimumf %min3A, %broadcast_in_dim3A_527 : vector<1x256xf32>
    %get3A_529 = arith.constant 0 : index
    %get3A_530 = arith.constant 768 : index
    %get3A_531 = vector.load %arg11[%get3A_529, %get3A_530] : memref<24x2048xbf16, #tpu.memory_space<vmem>>, vector<24x256xbf16>
    %dot_general3A_532 = arith.constant dense<0.000000e+00> : vector<256x256xf32>
    %dot_general3A_533 = tpu.matmul %get3A_531, %get3A_505, %dot_general3A_532 {dimension_numbers = #tpu.dot_dimension_numbers<[0], [0], [1], [1], [0, 1, 1, 1], [], []>, transpose_lhs_hint = false} : vector<24x256xbf16>, vector<24x256xbf16>, vector<256x256xf32> -> vector<256x256xf32>
    %reduce_min3A_534 = arith.constant dense<0x7F800000> : vector<256xf32>
    %reduce_min3A_535 = vector.multi_reduction <minimumf>, %dot_general3A_533, %reduce_min3A_534 [0] : vector<256x256xf32> to vector<256xf32>
    %broadcast_in_dim3A_536 = vector.shape_cast %reduce_min3A_535 : vector<256xf32> to vector<1x256xf32>
    %min3A_537 = arith.minimumf %min3A_528, %broadcast_in_dim3A_536 : vector<1x256xf32>
    %get3A_538 = arith.constant 0 : index
    %get3A_539 = arith.constant 1024 : index
    %get3A_540 = vector.load %arg11[%get3A_538, %get3A_539] : memref<24x2048xbf16, #tpu.memory_space<vmem>>, vector<24x256xbf16>
    %dot_general3A_541 = arith.constant dense<0.000000e+00> : vector<256x256xf32>
    %dot_general3A_542 = tpu.matmul %get3A_540, %get3A_505, %dot_general3A_541 {dimension_numbers = #tpu.dot_dimension_numbers<[0], [0], [1], [1], [0, 1, 1, 1], [], []>, transpose_lhs_hint = false} : vector<24x256xbf16>, vector<24x256xbf16>, vector<256x256xf32> -> vector<256x256xf32>
    %reduce_min3A_543 = arith.constant dense<0x7F800000> : vector<256xf32>
    %reduce_min3A_544 = vector.multi_reduction <minimumf>, %dot_general3A_542, %reduce_min3A_543 [0] : vector<256x256xf32> to vector<256xf32>
    %broadcast_in_dim3A_545 = vector.shape_cast %reduce_min3A_544 : vector<256xf32> to vector<1x256xf32>
    %min3A_546 = arith.minimumf %min3A_537, %broadcast_in_dim3A_545 : vector<1x256xf32>
    %get3A_547 = arith.constant 0 : index
    %get3A_548 = arith.constant 1280 : index
    %get3A_549 = vector.load %arg11[%get3A_547, %get3A_548] : memref<24x2048xbf16, #tpu.memory_space<vmem>>, vector<24x256xbf16>
    %dot_general3A_550 = arith.constant dense<0.000000e+00> : vector<256x256xf32>
    %dot_general3A_551 = tpu.matmul %get3A_549, %get3A_505, %dot_general3A_550 {dimension_numbers = #tpu.dot_dimension_numbers<[0], [0], [1], [1], [0, 1, 1, 1], [], []>, transpose_lhs_hint = false} : vector<24x256xbf16>, vector<24x256xbf16>, vector<256x256xf32> -> vector<256x256xf32>
    %reduce_min3A_552 = arith.constant dense<0x7F800000> : vector<256xf32>
    %reduce_min3A_553 = vector.multi_reduction <minimumf>, %dot_general3A_551, %reduce_min3A_552 [0] : vector<256x256xf32> to vector<256xf32>
    %broadcast_in_dim3A_554 = vector.shape_cast %reduce_min3A_553 : vector<256xf32> to vector<1x256xf32>
    %min3A_555 = arith.minimumf %min3A_546, %broadcast_in_dim3A_554 : vector<1x256xf32>
    %get3A_556 = arith.constant 0 : index
    %get3A_557 = arith.constant 1536 : index
    %get3A_558 = vector.load %arg11[%get3A_556, %get3A_557] : memref<24x2048xbf16, #tpu.memory_space<vmem>>, vector<24x256xbf16>
    %dot_general3A_559 = arith.constant dense<0.000000e+00> : vector<256x256xf32>
    %dot_general3A_560 = tpu.matmul %get3A_558, %get3A_505, %dot_general3A_559 {dimension_numbers = #tpu.dot_dimension_numbers<[0], [0], [1], [1], [0, 1, 1, 1], [], []>, transpose_lhs_hint = false} : vector<24x256xbf16>, vector<24x256xbf16>, vector<256x256xf32> -> vector<256x256xf32>
    %reduce_min3A_561 = arith.constant dense<0x7F800000> : vector<256xf32>
    %reduce_min3A_562 = vector.multi_reduction <minimumf>, %dot_general3A_560, %reduce_min3A_561 [0] : vector<256x256xf32> to vector<256xf32>
    %broadcast_in_dim3A_563 = vector.shape_cast %reduce_min3A_562 : vector<256xf32> to vector<1x256xf32>
    %min3A_564 = arith.minimumf %min3A_555, %broadcast_in_dim3A_563 : vector<1x256xf32>
    %get3A_565 = arith.constant 0 : index
    %get3A_566 = arith.constant 1792 : index
    %get3A_567 = vector.load %arg11[%get3A_565, %get3A_566] : memref<24x2048xbf16, #tpu.memory_space<vmem>>, vector<24x256xbf16>
    %dot_general3A_568 = arith.constant dense<0.000000e+00> : vector<256x256xf32>
    %dot_general3A_569 = tpu.matmul %get3A_567, %get3A_505, %dot_general3A_568 {dimension_numbers = #tpu.dot_dimension_numbers<[0], [0], [1], [1], [0, 1, 1, 1], [], []>, transpose_lhs_hint = false} : vector<24x256xbf16>, vector<24x256xbf16>, vector<256x256xf32> -> vector<256x256xf32>
    %reduce_min3A_570 = arith.constant dense<0x7F800000> : vector<256xf32>
    %reduce_min3A_571 = vector.multi_reduction <minimumf>, %dot_general3A_569, %reduce_min3A_570 [0] : vector<256x256xf32> to vector<256xf32>
    %broadcast_in_dim3A_572 = vector.shape_cast %reduce_min3A_571 : vector<256xf32> to vector<1x256xf32>
    %min3A_573 = arith.minimumf %min3A_564, %broadcast_in_dim3A_572 : vector<1x256xf32>
    %get3A_574 = arith.constant 0 : index
    %get3A_575 = arith.constant 0 : index
    %get3A_576 = vector.load %arg12[%get3A_574, %get3A_575] : memref<1x2304xf32, #tpu.memory_space<vmem>>, vector<1x256xf32>
    %get3A_577 = arith.constant 0 : index
    %get3A_578 = arith.constant 0 : index
    %get3A_579 = vector.load %arg3[%get3A_577, %get3A_578] : memref<1x2304xf32, #tpu.memory_space<vmem>>, vector<1x256xf32>
    %add3A_580 = arith.addf %min3A_573, %get3A_576 : vector<1x256xf32>
    %mul3A_581 = arith.mulf %get3A_579, %add3A_580 : vector<1x256xf32>
    %add3A_582 = arith.addf %broadcast_in_dim3A_502, %mul3A_581 : vector<1x256xf32>
    %get3A_583 = arith.constant 0 : index
    %get3A_584 = arith.constant 256 : index
    %get3A_585 = vector.load %arg10[%get3A_583, %get3A_584] : memref<24x2304xbf16, #tpu.memory_space<vmem>>, vector<24x256xbf16>
    %get3A_586 = arith.constant 0 : index
    %get3A_587 = arith.constant 0 : index
    %get3A_588 = vector.load %arg11[%get3A_586, %get3A_587] : memref<24x2048xbf16, #tpu.memory_space<vmem>>, vector<24x256xbf16>
    %dot_general3A_589 = arith.constant dense<0.000000e+00> : vector<256x256xf32>
    %dot_general3A_590 = tpu.matmul %get3A_588, %get3A_585, %dot_general3A_589 {dimension_numbers = #tpu.dot_dimension_numbers<[0], [0], [1], [1], [0, 1, 1, 1], [], []>, transpose_lhs_hint = false} : vector<24x256xbf16>, vector<24x256xbf16>, vector<256x256xf32> -> vector<256x256xf32>
    %reduce_min3A_591 = arith.constant dense<0x7F800000> : vector<256xf32>
    %reduce_min3A_592 = vector.multi_reduction <minimumf>, %dot_general3A_590, %reduce_min3A_591 [0] : vector<256x256xf32> to vector<256xf32>
    %broadcast_in_dim3A_593 = vector.shape_cast %reduce_min3A_592 : vector<256xf32> to vector<1x256xf32>
    %get3A_594 = arith.constant 0 : index
    %get3A_595 = arith.constant 256 : index
    %get3A_596 = vector.load %arg11[%get3A_594, %get3A_595] : memref<24x2048xbf16, #tpu.memory_space<vmem>>, vector<24x256xbf16>
    %dot_general3A_597 = arith.constant dense<0.000000e+00> : vector<256x256xf32>
    %dot_general3A_598 = tpu.matmul %get3A_596, %get3A_585, %dot_general3A_597 {dimension_numbers = #tpu.dot_dimension_numbers<[0], [0], [1], [1], [0, 1, 1, 1], [], []>, transpose_lhs_hint = false} : vector<24x256xbf16>, vector<24x256xbf16>, vector<256x256xf32> -> vector<256x256xf32>
    %reduce_min3A_599 = arith.constant dense<0x7F800000> : vector<256xf32>
    %reduce_min3A_600 = vector.multi_reduction <minimumf>, %dot_general3A_598, %reduce_min3A_599 [0] : vector<256x256xf32> to vector<256xf32>
    %broadcast_in_dim3A_601 = vector.shape_cast %reduce_min3A_600 : vector<256xf32> to vector<1x256xf32>
    %min3A_602 = arith.minimumf %broadcast_in_dim3A_593, %broadcast_in_dim3A_601 : vector<1x256xf32>
    %get3A_603 = arith.constant 0 : index
    %get3A_604 = arith.constant 512 : index
    %get3A_605 = vector.load %arg11[%get3A_603, %get3A_604] : memref<24x2048xbf16, #tpu.memory_space<vmem>>, vector<24x256xbf16>
    %dot_general3A_606 = arith.constant dense<0.000000e+00> : vector<256x256xf32>
    %dot_general3A_607 = tpu.matmul %get3A_605, %get3A_585, %dot_general3A_606 {dimension_numbers = #tpu.dot_dimension_numbers<[0], [0], [1], [1], [0, 1, 1, 1], [], []>, transpose_lhs_hint = false} : vector<24x256xbf16>, vector<24x256xbf16>, vector<256x256xf32> -> vector<256x256xf32>
    %reduce_min3A_608 = arith.constant dense<0x7F800000> : vector<256xf32>
    %reduce_min3A_609 = vector.multi_reduction <minimumf>, %dot_general3A_607, %reduce_min3A_608 [0] : vector<256x256xf32> to vector<256xf32>
    %broadcast_in_dim3A_610 = vector.shape_cast %reduce_min3A_609 : vector<256xf32> to vector<1x256xf32>
    %min3A_611 = arith.minimumf %min3A_602, %broadcast_in_dim3A_610 : vector<1x256xf32>
    %get3A_612 = arith.constant 0 : index
    %get3A_613 = arith.constant 768 : index
    %get3A_614 = vector.load %arg11[%get3A_612, %get3A_613] : memref<24x2048xbf16, #tpu.memory_space<vmem>>, vector<24x256xbf16>
    %dot_general3A_615 = arith.constant dense<0.000000e+00> : vector<256x256xf32>
    %dot_general3A_616 = tpu.matmul %get3A_614, %get3A_585, %dot_general3A_615 {dimension_numbers = #tpu.dot_dimension_numbers<[0], [0], [1], [1], [0, 1, 1, 1], [], []>, transpose_lhs_hint = false} : vector<24x256xbf16>, vector<24x256xbf16>, vector<256x256xf32> -> vector<256x256xf32>
    %reduce_min3A_617 = arith.constant dense<0x7F800000> : vector<256xf32>
    %reduce_min3A_618 = vector.multi_reduction <minimumf>, %dot_general3A_616, %reduce_min3A_617 [0] : vector<256x256xf32> to vector<256xf32>
    %broadcast_in_dim3A_619 = vector.shape_cast %reduce_min3A_618 : vector<256xf32> to vector<1x256xf32>
    %min3A_620 = arith.minimumf %min3A_611, %broadcast_in_dim3A_619 : vector<1x256xf32>
    %get3A_621 = arith.constant 0 : index
    %get3A_622 = arith.constant 1024 : index
    %get3A_623 = vector.load %arg11[%get3A_621, %get3A_622] : memref<24x2048xbf16, #tpu.memory_space<vmem>>, vector<24x256xbf16>
    %dot_general3A_624 = arith.constant dense<0.000000e+00> : vector<256x256xf32>
    %dot_general3A_625 = tpu.matmul %get3A_623, %get3A_585, %dot_general3A_624 {dimension_numbers = #tpu.dot_dimension_numbers<[0], [0], [1], [1], [0, 1, 1, 1], [], []>, transpose_lhs_hint = false} : vector<24x256xbf16>, vector<24x256xbf16>, vector<256x256xf32> -> vector<256x256xf32>
    %reduce_min3A_626 = arith.constant dense<0x7F800000> : vector<256xf32>
    %reduce_min3A_627 = vector.multi_reduction <minimumf>, %dot_general3A_625, %reduce_min3A_626 [0] : vector<256x256xf32> to vector<256xf32>
    %broadcast_in_dim3A_628 = vector.shape_cast %reduce_min3A_627 : vector<256xf32> to vector<1x256xf32>
    %min3A_629 = arith.minimumf %min3A_620, %broadcast_in_dim3A_628 : vector<1x256xf32>
    %get3A_630 = arith.constant 0 : index
    %get3A_631 = arith.constant 1280 : index
    %get3A_632 = vector.load %arg11[%get3A_630, %get3A_631] : memref<24x2048xbf16, #tpu.memory_space<vmem>>, vector<24x256xbf16>
    %dot_general3A_633 = arith.constant dense<0.000000e+00> : vector<256x256xf32>
    %dot_general3A_634 = tpu.matmul %get3A_632, %get3A_585, %dot_general3A_633 {dimension_numbers = #tpu.dot_dimension_numbers<[0], [0], [1], [1], [0, 1, 1, 1], [], []>, transpose_lhs_hint = false} : vector<24x256xbf16>, vector<24x256xbf16>, vector<256x256xf32> -> vector<256x256xf32>
    %reduce_min3A_635 = arith.constant dense<0x7F800000> : vector<256xf32>
    %reduce_min3A_636 = vector.multi_reduction <minimumf>, %dot_general3A_634, %reduce_min3A_635 [0] : vector<256x256xf32> to vector<256xf32>
    %broadcast_in_dim3A_637 = vector.shape_cast %reduce_min3A_636 : vector<256xf32> to vector<1x256xf32>
    %min3A_638 = arith.minimumf %min3A_629, %broadcast_in_dim3A_637 : vector<1x256xf32>
    %get3A_639 = arith.constant 0 : index
    %get3A_640 = arith.constant 1536 : index
    %get3A_641 = vector.load %arg11[%get3A_639, %get3A_640] : memref<24x2048xbf16, #tpu.memory_space<vmem>>, vector<24x256xbf16>
    %dot_general3A_642 = arith.constant dense<0.000000e+00> : vector<256x256xf32>
    %dot_general3A_643 = tpu.matmul %get3A_641, %get3A_585, %dot_general3A_642 {dimension_numbers = #tpu.dot_dimension_numbers<[0], [0], [1], [1], [0, 1, 1, 1], [], []>, transpose_lhs_hint = false} : vector<24x256xbf16>, vector<24x256xbf16>, vector<256x256xf32> -> vector<256x256xf32>
    %reduce_min3A_644 = arith.constant dense<0x7F800000> : vector<256xf32>
    %reduce_min3A_645 = vector.multi_reduction <minimumf>, %dot_general3A_643, %reduce_min3A_644 [0] : vector<256x256xf32> to vector<256xf32>
    %broadcast_in_dim3A_646 = vector.shape_cast %reduce_min3A_645 : vector<256xf32> to vector<1x256xf32>
    %min3A_647 = arith.minimumf %min3A_638, %broadcast_in_dim3A_646 : vector<1x256xf32>
    %get3A_648 = arith.constant 0 : index
    %get3A_649 = arith.constant 1792 : index
    %get3A_650 = vector.load %arg11[%get3A_648, %get3A_649] : memref<24x2048xbf16, #tpu.memory_space<vmem>>, vector<24x256xbf16>
    %dot_general3A_651 = arith.constant dense<0.000000e+00> : vector<256x256xf32>
    %dot_general3A_652 = tpu.matmul %get3A_650, %get3A_585, %dot_general3A_651 {dimension_numbers = #tpu.dot_dimension_numbers<[0], [0], [1], [1], [0, 1, 1, 1], [], []>, transpose_lhs_hint = false} : vector<24x256xbf16>, vector<24x256xbf16>, vector<256x256xf32> -> vector<256x256xf32>
    %reduce_min3A_653 = arith.constant dense<0x7F800000> : vector<256xf32>
    %reduce_min3A_654 = vector.multi_reduction <minimumf>, %dot_general3A_652, %reduce_min3A_653 [0] : vector<256x256xf32> to vector<256xf32>
    %broadcast_in_dim3A_655 = vector.shape_cast %reduce_min3A_654 : vector<256xf32> to vector<1x256xf32>
    %min3A_656 = arith.minimumf %min3A_647, %broadcast_in_dim3A_655 : vector<1x256xf32>
    %get3A_657 = arith.constant 0 : index
    %get3A_658 = arith.constant 256 : index
    %get3A_659 = vector.load %arg12[%get3A_657, %get3A_658] : memref<1x2304xf32, #tpu.memory_space<vmem>>, vector<1x256xf32>
    %get3A_660 = arith.constant 0 : index
    %get3A_661 = arith.constant 256 : index
    %get3A_662 = vector.load %arg3[%get3A_660, %get3A_661] : memref<1x2304xf32, #tpu.memory_space<vmem>>, vector<1x256xf32>
    %add3A_663 = arith.addf %min3A_656, %get3A_659 : vector<1x256xf32>
    %mul3A_664 = arith.mulf %get3A_662, %add3A_663 : vector<1x256xf32>
    %add3A_665 = arith.addf %add3A_582, %mul3A_664 : vector<1x256xf32>
    %get3A_666 = arith.constant 0 : index
    %get3A_667 = arith.constant 512 : index
    %get3A_668 = vector.load %arg10[%get3A_666, %get3A_667] : memref<24x2304xbf16, #tpu.memory_space<vmem>>, vector<24x256xbf16>
    %get3A_669 = arith.constant 0 : index
    %get3A_670 = arith.constant 0 : index
    %get3A_671 = vector.load %arg11[%get3A_669, %get3A_670] : memref<24x2048xbf16, #tpu.memory_space<vmem>>, vector<24x256xbf16>
    %dot_general3A_672 = arith.constant dense<0.000000e+00> : vector<256x256xf32>
    %dot_general3A_673 = tpu.matmul %get3A_671, %get3A_668, %dot_general3A_672 {dimension_numbers = #tpu.dot_dimension_numbers<[0], [0], [1], [1], [0, 1, 1, 1], [], []>, transpose_lhs_hint = false} : vector<24x256xbf16>, vector<24x256xbf16>, vector<256x256xf32> -> vector<256x256xf32>
    %reduce_min3A_674 = arith.constant dense<0x7F800000> : vector<256xf32>
    %reduce_min3A_675 = vector.multi_reduction <minimumf>, %dot_general3A_673, %reduce_min3A_674 [0] : vector<256x256xf32> to vector<256xf32>
    %broadcast_in_dim3A_676 = vector.shape_cast %reduce_min3A_675 : vector<256xf32> to vector<1x256xf32>
    %get3A_677 = arith.constant 0 : index
    %get3A_678 = arith.constant 256 : index
    %get3A_679 = vector.load %arg11[%get3A_677, %get3A_678] : memref<24x2048xbf16, #tpu.memory_space<vmem>>, vector<24x256xbf16>
    %dot_general3A_680 = arith.constant dense<0.000000e+00> : vector<256x256xf32>
    %dot_general3A_681 = tpu.matmul %get3A_679, %get3A_668, %dot_general3A_680 {dimension_numbers = #tpu.dot_dimension_numbers<[0], [0], [1], [1], [0, 1, 1, 1], [], []>, transpose_lhs_hint = false} : vector<24x256xbf16>, vector<24x256xbf16>, vector<256x256xf32> -> vector<256x256xf32>
    %reduce_min3A_682 = arith.constant dense<0x7F800000> : vector<256xf32>
    %reduce_min3A_683 = vector.multi_reduction <minimumf>, %dot_general3A_681, %reduce_min3A_682 [0] : vector<256x256xf32> to vector<256xf32>
    %broadcast_in_dim3A_684 = vector.shape_cast %reduce_min3A_683 : vector<256xf32> to vector<1x256xf32>
    %min3A_685 = arith.minimumf %broadcast_in_dim3A_676, %broadcast_in_dim3A_684 : vector<1x256xf32>
    %get3A_686 = arith.constant 0 : index
    %get3A_687 = arith.constant 512 : index
    %get3A_688 = vector.load %arg11[%get3A_686, %get3A_687] : memref<24x2048xbf16, #tpu.memory_space<vmem>>, vector<24x256xbf16>
    %dot_general3A_689 = arith.constant dense<0.000000e+00> : vector<256x256xf32>
    %dot_general3A_690 = tpu.matmul %get3A_688, %get3A_668, %dot_general3A_689 {dimension_numbers = #tpu.dot_dimension_numbers<[0], [0], [1], [1], [0, 1, 1, 1], [], []>, transpose_lhs_hint = false} : vector<24x256xbf16>, vector<24x256xbf16>, vector<256x256xf32> -> vector<256x256xf32>
    %reduce_min3A_691 = arith.constant dense<0x7F800000> : vector<256xf32>
    %reduce_min3A_692 = vector.multi_reduction <minimumf>, %dot_general3A_690, %reduce_min3A_691 [0] : vector<256x256xf32> to vector<256xf32>
    %broadcast_in_dim3A_693 = vector.shape_cast %reduce_min3A_692 : vector<256xf32> to vector<1x256xf32>
    %min3A_694 = arith.minimumf %min3A_685, %broadcast_in_dim3A_693 : vector<1x256xf32>
    %get3A_695 = arith.constant 0 : index
    %get3A_696 = arith.constant 768 : index
    %get3A_697 = vector.load %arg11[%get3A_695, %get3A_696] : memref<24x2048xbf16, #tpu.memory_space<vmem>>, vector<24x256xbf16>
    %dot_general3A_698 = arith.constant dense<0.000000e+00> : vector<256x256xf32>
    %dot_general3A_699 = tpu.matmul %get3A_697, %get3A_668, %dot_general3A_698 {dimension_numbers = #tpu.dot_dimension_numbers<[0], [0], [1], [1], [0, 1, 1, 1], [], []>, transpose_lhs_hint = false} : vector<24x256xbf16>, vector<24x256xbf16>, vector<256x256xf32> -> vector<256x256xf32>
    %reduce_min3A_700 = arith.constant dense<0x7F800000> : vector<256xf32>
    %reduce_min3A_701 = vector.multi_reduction <minimumf>, %dot_general3A_699, %reduce_min3A_700 [0] : vector<256x256xf32> to vector<256xf32>
    %broadcast_in_dim3A_702 = vector.shape_cast %reduce_min3A_701 : vector<256xf32> to vector<1x256xf32>
    %min3A_703 = arith.minimumf %min3A_694, %broadcast_in_dim3A_702 : vector<1x256xf32>
    %get3A_704 = arith.constant 0 : index
    %get3A_705 = arith.constant 1024 : index
    %get3A_706 = vector.load %arg11[%get3A_704, %get3A_705] : memref<24x2048xbf16, #tpu.memory_space<vmem>>, vector<24x256xbf16>
    %dot_general3A_707 = arith.constant dense<0.000000e+00> : vector<256x256xf32>
    %dot_general3A_708 = tpu.matmul %get3A_706, %get3A_668, %dot_general3A_707 {dimension_numbers = #tpu.dot_dimension_numbers<[0], [0], [1], [1], [0, 1, 1, 1], [], []>, transpose_lhs_hint = false} : vector<24x256xbf16>, vector<24x256xbf16>, vector<256x256xf32> -> vector<256x256xf32>
    %reduce_min3A_709 = arith.constant dense<0x7F800000> : vector<256xf32>
    %reduce_min3A_710 = vector.multi_reduction <minimumf>, %dot_general3A_708, %reduce_min3A_709 [0] : vector<256x256xf32> to vector<256xf32>
    %broadcast_in_dim3A_711 = vector.shape_cast %reduce_min3A_710 : vector<256xf32> to vector<1x256xf32>
    %min3A_712 = arith.minimumf %min3A_703, %broadcast_in_dim3A_711 : vector<1x256xf32>
    %get3A_713 = arith.constant 0 : index
    %get3A_714 = arith.constant 1280 : index
    %get3A_715 = vector.load %arg11[%get3A_713, %get3A_714] : memref<24x2048xbf16, #tpu.memory_space<vmem>>, vector<24x256xbf16>
    %dot_general3A_716 = arith.constant dense<0.000000e+00> : vector<256x256xf32>
    %dot_general3A_717 = tpu.matmul %get3A_715, %get3A_668, %dot_general3A_716 {dimension_numbers = #tpu.dot_dimension_numbers<[0], [0], [1], [1], [0, 1, 1, 1], [], []>, transpose_lhs_hint = false} : vector<24x256xbf16>, vector<24x256xbf16>, vector<256x256xf32> -> vector<256x256xf32>
    %reduce_min3A_718 = arith.constant dense<0x7F800000> : vector<256xf32>
    %reduce_min3A_719 = vector.multi_reduction <minimumf>, %dot_general3A_717, %reduce_min3A_718 [0] : vector<256x256xf32> to vector<256xf32>
    %broadcast_in_dim3A_720 = vector.shape_cast %reduce_min3A_719 : vector<256xf32> to vector<1x256xf32>
    %min3A_721 = arith.minimumf %min3A_712, %broadcast_in_dim3A_720 : vector<1x256xf32>
    %get3A_722 = arith.constant 0 : index
    %get3A_723 = arith.constant 1536 : index
    %get3A_724 = vector.load %arg11[%get3A_722, %get3A_723] : memref<24x2048xbf16, #tpu.memory_space<vmem>>, vector<24x256xbf16>
    %dot_general3A_725 = arith.constant dense<0.000000e+00> : vector<256x256xf32>
    %dot_general3A_726 = tpu.matmul %get3A_724, %get3A_668, %dot_general3A_725 {dimension_numbers = #tpu.dot_dimension_numbers<[0], [0], [1], [1], [0, 1, 1, 1], [], []>, transpose_lhs_hint = false} : vector<24x256xbf16>, vector<24x256xbf16>, vector<256x256xf32> -> vector<256x256xf32>
    %reduce_min3A_727 = arith.constant dense<0x7F800000> : vector<256xf32>
    %reduce_min3A_728 = vector.multi_reduction <minimumf>, %dot_general3A_726, %reduce_min3A_727 [0] : vector<256x256xf32> to vector<256xf32>
    %broadcast_in_dim3A_729 = vector.shape_cast %reduce_min3A_728 : vector<256xf32> to vector<1x256xf32>
    %min3A_730 = arith.minimumf %min3A_721, %broadcast_in_dim3A_729 : vector<1x256xf32>
    %get3A_731 = arith.constant 0 : index
    %get3A_732 = arith.constant 1792 : index
    %get3A_733 = vector.load %arg11[%get3A_731, %get3A_732] : memref<24x2048xbf16, #tpu.memory_space<vmem>>, vector<24x256xbf16>
    %dot_general3A_734 = arith.constant dense<0.000000e+00> : vector<256x256xf32>
    %dot_general3A_735 = tpu.matmul %get3A_733, %get3A_668, %dot_general3A_734 {dimension_numbers = #tpu.dot_dimension_numbers<[0], [0], [1], [1], [0, 1, 1, 1], [], []>, transpose_lhs_hint = false} : vector<24x256xbf16>, vector<24x256xbf16>, vector<256x256xf32> -> vector<256x256xf32>
    %reduce_min3A_736 = arith.constant dense<0x7F800000> : vector<256xf32>
    %reduce_min3A_737 = vector.multi_reduction <minimumf>, %dot_general3A_735, %reduce_min3A_736 [0] : vector<256x256xf32> to vector<256xf32>
    %broadcast_in_dim3A_738 = vector.shape_cast %reduce_min3A_737 : vector<256xf32> to vector<1x256xf32>
    %min3A_739 = arith.minimumf %min3A_730, %broadcast_in_dim3A_738 : vector<1x256xf32>
    %get3A_740 = arith.constant 0 : index
    %get3A_741 = arith.constant 512 : index
    %get3A_742 = vector.load %arg12[%get3A_740, %get3A_741] : memref<1x2304xf32, #tpu.memory_space<vmem>>, vector<1x256xf32>
    %get3A_743 = arith.constant 0 : index
    %get3A_744 = arith.constant 512 : index
    %get3A_745 = vector.load %arg3[%get3A_743, %get3A_744] : memref<1x2304xf32, #tpu.memory_space<vmem>>, vector<1x256xf32>
    %add3A_746 = arith.addf %min3A_739, %get3A_742 : vector<1x256xf32>
    %mul3A_747 = arith.mulf %get3A_745, %add3A_746 : vector<1x256xf32>
    %add3A_748 = arith.addf %add3A_665, %mul3A_747 : vector<1x256xf32>
    %get3A_749 = arith.constant 0 : index
    %get3A_750 = arith.constant 768 : index
    %get3A_751 = vector.load %arg10[%get3A_749, %get3A_750] : memref<24x2304xbf16, #tpu.memory_space<vmem>>, vector<24x256xbf16>
    %get3A_752 = arith.constant 0 : index
    %get3A_753 = arith.constant 0 : index
    %get3A_754 = vector.load %arg11[%get3A_752, %get3A_753] : memref<24x2048xbf16, #tpu.memory_space<vmem>>, vector<24x256xbf16>
    %dot_general3A_755 = arith.constant dense<0.000000e+00> : vector<256x256xf32>
    %dot_general3A_756 = tpu.matmul %get3A_754, %get3A_751, %dot_general3A_755 {dimension_numbers = #tpu.dot_dimension_numbers<[0], [0], [1], [1], [0, 1, 1, 1], [], []>, transpose_lhs_hint = false} : vector<24x256xbf16>, vector<24x256xbf16>, vector<256x256xf32> -> vector<256x256xf32>
    %reduce_min3A_757 = arith.constant dense<0x7F800000> : vector<256xf32>
    %reduce_min3A_758 = vector.multi_reduction <minimumf>, %dot_general3A_756, %reduce_min3A_757 [0] : vector<256x256xf32> to vector<256xf32>
    %broadcast_in_dim3A_759 = vector.shape_cast %reduce_min3A_758 : vector<256xf32> to vector<1x256xf32>
    %get3A_760 = arith.constant 0 : index
    %get3A_761 = arith.constant 256 : index
    %get3A_762 = vector.load %arg11[%get3A_760, %get3A_761] : memref<24x2048xbf16, #tpu.memory_space<vmem>>, vector<24x256xbf16>
    %dot_general3A_763 = arith.constant dense<0.000000e+00> : vector<256x256xf32>
    %dot_general3A_764 = tpu.matmul %get3A_762, %get3A_751, %dot_general3A_763 {dimension_numbers = #tpu.dot_dimension_numbers<[0], [0], [1], [1], [0, 1, 1, 1], [], []>, transpose_lhs_hint = false} : vector<24x256xbf16>, vector<24x256xbf16>, vector<256x256xf32> -> vector<256x256xf32>
    %reduce_min3A_765 = arith.constant dense<0x7F800000> : vector<256xf32>
    %reduce_min3A_766 = vector.multi_reduction <minimumf>, %dot_general3A_764, %reduce_min3A_765 [0] : vector<256x256xf32> to vector<256xf32>
    %broadcast_in_dim3A_767 = vector.shape_cast %reduce_min3A_766 : vector<256xf32> to vector<1x256xf32>
    %min3A_768 = arith.minimumf %broadcast_in_dim3A_759, %broadcast_in_dim3A_767 : vector<1x256xf32>
    %get3A_769 = arith.constant 0 : index
    %get3A_770 = arith.constant 512 : index
    %get3A_771 = vector.load %arg11[%get3A_769, %get3A_770] : memref<24x2048xbf16, #tpu.memory_space<vmem>>, vector<24x256xbf16>
    %dot_general3A_772 = arith.constant dense<0.000000e+00> : vector<256x256xf32>
    %dot_general3A_773 = tpu.matmul %get3A_771, %get3A_751, %dot_general3A_772 {dimension_numbers = #tpu.dot_dimension_numbers<[0], [0], [1], [1], [0, 1, 1, 1], [], []>, transpose_lhs_hint = false} : vector<24x256xbf16>, vector<24x256xbf16>, vector<256x256xf32> -> vector<256x256xf32>
    %reduce_min3A_774 = arith.constant dense<0x7F800000> : vector<256xf32>
    %reduce_min3A_775 = vector.multi_reduction <minimumf>, %dot_general3A_773, %reduce_min3A_774 [0] : vector<256x256xf32> to vector<256xf32>
    %broadcast_in_dim3A_776 = vector.shape_cast %reduce_min3A_775 : vector<256xf32> to vector<1x256xf32>
    %min3A_777 = arith.minimumf %min3A_768, %broadcast_in_dim3A_776 : vector<1x256xf32>
    %get3A_778 = arith.constant 0 : index
    %get3A_779 = arith.constant 768 : index
    %get3A_780 = vector.load %arg11[%get3A_778, %get3A_779] : memref<24x2048xbf16, #tpu.memory_space<vmem>>, vector<24x256xbf16>
    %dot_general3A_781 = arith.constant dense<0.000000e+00> : vector<256x256xf32>
    %dot_general3A_782 = tpu.matmul %get3A_780, %get3A_751, %dot_general3A_781 {dimension_numbers = #tpu.dot_dimension_numbers<[0], [0], [1], [1], [0, 1, 1, 1], [], []>, transpose_lhs_hint = false} : vector<24x256xbf16>, vector<24x256xbf16>, vector<256x256xf32> -> vector<256x256xf32>
    %reduce_min3A_783 = arith.constant dense<0x7F800000> : vector<256xf32>
    %reduce_min3A_784 = vector.multi_reduction <minimumf>, %dot_general3A_782, %reduce_min3A_783 [0] : vector<256x256xf32> to vector<256xf32>
    %broadcast_in_dim3A_785 = vector.shape_cast %reduce_min3A_784 : vector<256xf32> to vector<1x256xf32>
    %min3A_786 = arith.minimumf %min3A_777, %broadcast_in_dim3A_785 : vector<1x256xf32>
    %get3A_787 = arith.constant 0 : index
    %get3A_788 = arith.constant 1024 : index
    %get3A_789 = vector.load %arg11[%get3A_787, %get3A_788] : memref<24x2048xbf16, #tpu.memory_space<vmem>>, vector<24x256xbf16>
    %dot_general3A_790 = arith.constant dense<0.000000e+00> : vector<256x256xf32>
    %dot_general3A_791 = tpu.matmul %get3A_789, %get3A_751, %dot_general3A_790 {dimension_numbers = #tpu.dot_dimension_numbers<[0], [0], [1], [1], [0, 1, 1, 1], [], []>, transpose_lhs_hint = false} : vector<24x256xbf16>, vector<24x256xbf16>, vector<256x256xf32> -> vector<256x256xf32>
    %reduce_min3A_792 = arith.constant dense<0x7F800000> : vector<256xf32>
    %reduce_min3A_793 = vector.multi_reduction <minimumf>, %dot_general3A_791, %reduce_min3A_792 [0] : vector<256x256xf32> to vector<256xf32>
    %broadcast_in_dim3A_794 = vector.shape_cast %reduce_min3A_793 : vector<256xf32> to vector<1x256xf32>
    %min3A_795 = arith.minimumf %min3A_786, %broadcast_in_dim3A_794 : vector<1x256xf32>
    %get3A_796 = arith.constant 0 : index
    %get3A_797 = arith.constant 1280 : index
    %get3A_798 = vector.load %arg11[%get3A_796, %get3A_797] : memref<24x2048xbf16, #tpu.memory_space<vmem>>, vector<24x256xbf16>
    %dot_general3A_799 = arith.constant dense<0.000000e+00> : vector<256x256xf32>
    %dot_general3A_800 = tpu.matmul %get3A_798, %get3A_751, %dot_general3A_799 {dimension_numbers = #tpu.dot_dimension_numbers<[0], [0], [1], [1], [0, 1, 1, 1], [], []>, transpose_lhs_hint = false} : vector<24x256xbf16>, vector<24x256xbf16>, vector<256x256xf32> -> vector<256x256xf32>
    %reduce_min3A_801 = arith.constant dense<0x7F800000> : vector<256xf32>
    %reduce_min3A_802 = vector.multi_reduction <minimumf>, %dot_general3A_800, %reduce_min3A_801 [0] : vector<256x256xf32> to vector<256xf32>
    %broadcast_in_dim3A_803 = vector.shape_cast %reduce_min3A_802 : vector<256xf32> to vector<1x256xf32>
    %min3A_804 = arith.minimumf %min3A_795, %broadcast_in_dim3A_803 : vector<1x256xf32>
    %get3A_805 = arith.constant 0 : index
    %get3A_806 = arith.constant 1536 : index
    %get3A_807 = vector.load %arg11[%get3A_805, %get3A_806] : memref<24x2048xbf16, #tpu.memory_space<vmem>>, vector<24x256xbf16>
    %dot_general3A_808 = arith.constant dense<0.000000e+00> : vector<256x256xf32>
    %dot_general3A_809 = tpu.matmul %get3A_807, %get3A_751, %dot_general3A_808 {dimension_numbers = #tpu.dot_dimension_numbers<[0], [0], [1], [1], [0, 1, 1, 1], [], []>, transpose_lhs_hint = false} : vector<24x256xbf16>, vector<24x256xbf16>, vector<256x256xf32> -> vector<256x256xf32>
    %reduce_min3A_810 = arith.constant dense<0x7F800000> : vector<256xf32>
    %reduce_min3A_811 = vector.multi_reduction <minimumf>, %dot_general3A_809, %reduce_min3A_810 [0] : vector<256x256xf32> to vector<256xf32>
    %broadcast_in_dim3A_812 = vector.shape_cast %reduce_min3A_811 : vector<256xf32> to vector<1x256xf32>
    %min3A_813 = arith.minimumf %min3A_804, %broadcast_in_dim3A_812 : vector<1x256xf32>
    %get3A_814 = arith.constant 0 : index
    %get3A_815 = arith.constant 1792 : index
    %get3A_816 = vector.load %arg11[%get3A_814, %get3A_815] : memref<24x2048xbf16, #tpu.memory_space<vmem>>, vector<24x256xbf16>
    %dot_general3A_817 = arith.constant dense<0.000000e+00> : vector<256x256xf32>
    %dot_general3A_818 = tpu.matmul %get3A_816, %get3A_751, %dot_general3A_817 {dimension_numbers = #tpu.dot_dimension_numbers<[0], [0], [1], [1], [0, 1, 1, 1], [], []>, transpose_lhs_hint = false} : vector<24x256xbf16>, vector<24x256xbf16>, vector<256x256xf32> -> vector<256x256xf32>
    %reduce_min3A_819 = arith.constant dense<0x7F800000> : vector<256xf32>
    %reduce_min3A_820 = vector.multi_reduction <minimumf>, %dot_general3A_818, %reduce_min3A_819 [0] : vector<256x256xf32> to vector<256xf32>
    %broadcast_in_dim3A_821 = vector.shape_cast %reduce_min3A_820 : vector<256xf32> to vector<1x256xf32>
    %min3A_822 = arith.minimumf %min3A_813, %broadcast_in_dim3A_821 : vector<1x256xf32>
    %get3A_823 = arith.constant 0 : index
    %get3A_824 = arith.constant 768 : index
    %get3A_825 = vector.load %arg12[%get3A_823, %get3A_824] : memref<1x2304xf32, #tpu.memory_space<vmem>>, vector<1x256xf32>
    %get3A_826 = arith.constant 0 : index
    %get3A_827 = arith.constant 768 : index
    %get3A_828 = vector.load %arg3[%get3A_826, %get3A_827] : memref<1x2304xf32, #tpu.memory_space<vmem>>, vector<1x256xf32>
    %add3A_829 = arith.addf %min3A_822, %get3A_825 : vector<1x256xf32>
    %mul3A_830 = arith.mulf %get3A_828, %add3A_829 : vector<1x256xf32>
    %add3A_831 = arith.addf %add3A_748, %mul3A_830 : vector<1x256xf32>
    %get3A_832 = arith.constant 0 : index
    %get3A_833 = arith.constant 1024 : index
    %get3A_834 = vector.load %arg10[%get3A_832, %get3A_833] : memref<24x2304xbf16, #tpu.memory_space<vmem>>, vector<24x256xbf16>
    %get3A_835 = arith.constant 0 : index
    %get3A_836 = arith.constant 0 : index
    %get3A_837 = vector.load %arg11[%get3A_835, %get3A_836] : memref<24x2048xbf16, #tpu.memory_space<vmem>>, vector<24x256xbf16>
    %dot_general3A_838 = arith.constant dense<0.000000e+00> : vector<256x256xf32>
    %dot_general3A_839 = tpu.matmul %get3A_837, %get3A_834, %dot_general3A_838 {dimension_numbers = #tpu.dot_dimension_numbers<[0], [0], [1], [1], [0, 1, 1, 1], [], []>, transpose_lhs_hint = false} : vector<24x256xbf16>, vector<24x256xbf16>, vector<256x256xf32> -> vector<256x256xf32>
    %reduce_min3A_840 = arith.constant dense<0x7F800000> : vector<256xf32>
    %reduce_min3A_841 = vector.multi_reduction <minimumf>, %dot_general3A_839, %reduce_min3A_840 [0] : vector<256x256xf32> to vector<256xf32>
    %broadcast_in_dim3A_842 = vector.shape_cast %reduce_min3A_841 : vector<256xf32> to vector<1x256xf32>
    %get3A_843 = arith.constant 0 : index
    %get3A_844 = arith.constant 256 : index
    %get3A_845 = vector.load %arg11[%get3A_843, %get3A_844] : memref<24x2048xbf16, #tpu.memory_space<vmem>>, vector<24x256xbf16>
    %dot_general3A_846 = arith.constant dense<0.000000e+00> : vector<256x256xf32>
    %dot_general3A_847 = tpu.matmul %get3A_845, %get3A_834, %dot_general3A_846 {dimension_numbers = #tpu.dot_dimension_numbers<[0], [0], [1], [1], [0, 1, 1, 1], [], []>, transpose_lhs_hint = false} : vector<24x256xbf16>, vector<24x256xbf16>, vector<256x256xf32> -> vector<256x256xf32>
    %reduce_min3A_848 = arith.constant dense<0x7F800000> : vector<256xf32>
    %reduce_min3A_849 = vector.multi_reduction <minimumf>, %dot_general3A_847, %reduce_min3A_848 [0] : vector<256x256xf32> to vector<256xf32>
    %broadcast_in_dim3A_850 = vector.shape_cast %reduce_min3A_849 : vector<256xf32> to vector<1x256xf32>
    %min3A_851 = arith.minimumf %broadcast_in_dim3A_842, %broadcast_in_dim3A_850 : vector<1x256xf32>
    %get3A_852 = arith.constant 0 : index
    %get3A_853 = arith.constant 512 : index
    %get3A_854 = vector.load %arg11[%get3A_852, %get3A_853] : memref<24x2048xbf16, #tpu.memory_space<vmem>>, vector<24x256xbf16>
    %dot_general3A_855 = arith.constant dense<0.000000e+00> : vector<256x256xf32>
    %dot_general3A_856 = tpu.matmul %get3A_854, %get3A_834, %dot_general3A_855 {dimension_numbers = #tpu.dot_dimension_numbers<[0], [0], [1], [1], [0, 1, 1, 1], [], []>, transpose_lhs_hint = false} : vector<24x256xbf16>, vector<24x256xbf16>, vector<256x256xf32> -> vector<256x256xf32>
    %reduce_min3A_857 = arith.constant dense<0x7F800000> : vector<256xf32>
    %reduce_min3A_858 = vector.multi_reduction <minimumf>, %dot_general3A_856, %reduce_min3A_857 [0] : vector<256x256xf32> to vector<256xf32>
    %broadcast_in_dim3A_859 = vector.shape_cast %reduce_min3A_858 : vector<256xf32> to vector<1x256xf32>
    %min3A_860 = arith.minimumf %min3A_851, %broadcast_in_dim3A_859 : vector<1x256xf32>
    %get3A_861 = arith.constant 0 : index
    %get3A_862 = arith.constant 768 : index
    %get3A_863 = vector.load %arg11[%get3A_861, %get3A_862] : memref<24x2048xbf16, #tpu.memory_space<vmem>>, vector<24x256xbf16>
    %dot_general3A_864 = arith.constant dense<0.000000e+00> : vector<256x256xf32>
    %dot_general3A_865 = tpu.matmul %get3A_863, %get3A_834, %dot_general3A_864 {dimension_numbers = #tpu.dot_dimension_numbers<[0], [0], [1], [1], [0, 1, 1, 1], [], []>, transpose_lhs_hint = false} : vector<24x256xbf16>, vector<24x256xbf16>, vector<256x256xf32> -> vector<256x256xf32>
    %reduce_min3A_866 = arith.constant dense<0x7F800000> : vector<256xf32>
    %reduce_min3A_867 = vector.multi_reduction <minimumf>, %dot_general3A_865, %reduce_min3A_866 [0] : vector<256x256xf32> to vector<256xf32>
    %broadcast_in_dim3A_868 = vector.shape_cast %reduce_min3A_867 : vector<256xf32> to vector<1x256xf32>
    %min3A_869 = arith.minimumf %min3A_860, %broadcast_in_dim3A_868 : vector<1x256xf32>
    %get3A_870 = arith.constant 0 : index
    %get3A_871 = arith.constant 1024 : index
    %get3A_872 = vector.load %arg11[%get3A_870, %get3A_871] : memref<24x2048xbf16, #tpu.memory_space<vmem>>, vector<24x256xbf16>
    %dot_general3A_873 = arith.constant dense<0.000000e+00> : vector<256x256xf32>
    %dot_general3A_874 = tpu.matmul %get3A_872, %get3A_834, %dot_general3A_873 {dimension_numbers = #tpu.dot_dimension_numbers<[0], [0], [1], [1], [0, 1, 1, 1], [], []>, transpose_lhs_hint = false} : vector<24x256xbf16>, vector<24x256xbf16>, vector<256x256xf32> -> vector<256x256xf32>
    %reduce_min3A_875 = arith.constant dense<0x7F800000> : vector<256xf32>
    %reduce_min3A_876 = vector.multi_reduction <minimumf>, %dot_general3A_874, %reduce_min3A_875 [0] : vector<256x256xf32> to vector<256xf32>
    %broadcast_in_dim3A_877 = vector.shape_cast %reduce_min3A_876 : vector<256xf32> to vector<1x256xf32>
    %min3A_878 = arith.minimumf %min3A_869, %broadcast_in_dim3A_877 : vector<1x256xf32>
    %get3A_879 = arith.constant 0 : index
    %get3A_880 = arith.constant 1280 : index
    %get3A_881 = vector.load %arg11[%get3A_879, %get3A_880] : memref<24x2048xbf16, #tpu.memory_space<vmem>>, vector<24x256xbf16>
    %dot_general3A_882 = arith.constant dense<0.000000e+00> : vector<256x256xf32>
    %dot_general3A_883 = tpu.matmul %get3A_881, %get3A_834, %dot_general3A_882 {dimension_numbers = #tpu.dot_dimension_numbers<[0], [0], [1], [1], [0, 1, 1, 1], [], []>, transpose_lhs_hint = false} : vector<24x256xbf16>, vector<24x256xbf16>, vector<256x256xf32> -> vector<256x256xf32>
    %reduce_min3A_884 = arith.constant dense<0x7F800000> : vector<256xf32>
    %reduce_min3A_885 = vector.multi_reduction <minimumf>, %dot_general3A_883, %reduce_min3A_884 [0] : vector<256x256xf32> to vector<256xf32>
    %broadcast_in_dim3A_886 = vector.shape_cast %reduce_min3A_885 : vector<256xf32> to vector<1x256xf32>
    %min3A_887 = arith.minimumf %min3A_878, %broadcast_in_dim3A_886 : vector<1x256xf32>
    %get3A_888 = arith.constant 0 : index
    %get3A_889 = arith.constant 1536 : index
    %get3A_890 = vector.load %arg11[%get3A_888, %get3A_889] : memref<24x2048xbf16, #tpu.memory_space<vmem>>, vector<24x256xbf16>
    %dot_general3A_891 = arith.constant dense<0.000000e+00> : vector<256x256xf32>
    %dot_general3A_892 = tpu.matmul %get3A_890, %get3A_834, %dot_general3A_891 {dimension_numbers = #tpu.dot_dimension_numbers<[0], [0], [1], [1], [0, 1, 1, 1], [], []>, transpose_lhs_hint = false} : vector<24x256xbf16>, vector<24x256xbf16>, vector<256x256xf32> -> vector<256x256xf32>
    %reduce_min3A_893 = arith.constant dense<0x7F800000> : vector<256xf32>
    %reduce_min3A_894 = vector.multi_reduction <minimumf>, %dot_general3A_892, %reduce_min3A_893 [0] : vector<256x256xf32> to vector<256xf32>
    %broadcast_in_dim3A_895 = vector.shape_cast %reduce_min3A_894 : vector<256xf32> to vector<1x256xf32>
    %min3A_896 = arith.minimumf %min3A_887, %broadcast_in_dim3A_895 : vector<1x256xf32>
    %get3A_897 = arith.constant 0 : index
    %get3A_898 = arith.constant 1792 : index
    %get3A_899 = vector.load %arg11[%get3A_897, %get3A_898] : memref<24x2048xbf16, #tpu.memory_space<vmem>>, vector<24x256xbf16>
    %dot_general3A_900 = arith.constant dense<0.000000e+00> : vector<256x256xf32>
    %dot_general3A_901 = tpu.matmul %get3A_899, %get3A_834, %dot_general3A_900 {dimension_numbers = #tpu.dot_dimension_numbers<[0], [0], [1], [1], [0, 1, 1, 1], [], []>, transpose_lhs_hint = false} : vector<24x256xbf16>, vector<24x256xbf16>, vector<256x256xf32> -> vector<256x256xf32>
    %reduce_min3A_902 = arith.constant dense<0x7F800000> : vector<256xf32>
    %reduce_min3A_903 = vector.multi_reduction <minimumf>, %dot_general3A_901, %reduce_min3A_902 [0] : vector<256x256xf32> to vector<256xf32>
    %broadcast_in_dim3A_904 = vector.shape_cast %reduce_min3A_903 : vector<256xf32> to vector<1x256xf32>
    %min3A_905 = arith.minimumf %min3A_896, %broadcast_in_dim3A_904 : vector<1x256xf32>
    %get3A_906 = arith.constant 0 : index
    %get3A_907 = arith.constant 1024 : index
    %get3A_908 = vector.load %arg12[%get3A_906, %get3A_907] : memref<1x2304xf32, #tpu.memory_space<vmem>>, vector<1x256xf32>
    %get3A_909 = arith.constant 0 : index
    %get3A_910 = arith.constant 1024 : index
    %get3A_911 = vector.load %arg3[%get3A_909, %get3A_910] : memref<1x2304xf32, #tpu.memory_space<vmem>>, vector<1x256xf32>
    %add3A_912 = arith.addf %min3A_905, %get3A_908 : vector<1x256xf32>
    %mul3A_913 = arith.mulf %get3A_911, %add3A_912 : vector<1x256xf32>
    %add3A_914 = arith.addf %add3A_831, %mul3A_913 : vector<1x256xf32>
    %get3A_915 = arith.constant 0 : index
    %get3A_916 = arith.constant 1280 : index
    %get3A_917 = vector.load %arg10[%get3A_915, %get3A_916] : memref<24x2304xbf16, #tpu.memory_space<vmem>>, vector<24x256xbf16>
    %get3A_918 = arith.constant 0 : index
    %get3A_919 = arith.constant 0 : index
    %get3A_920 = vector.load %arg11[%get3A_918, %get3A_919] : memref<24x2048xbf16, #tpu.memory_space<vmem>>, vector<24x256xbf16>
    %dot_general3A_921 = arith.constant dense<0.000000e+00> : vector<256x256xf32>
    %dot_general3A_922 = tpu.matmul %get3A_920, %get3A_917, %dot_general3A_921 {dimension_numbers = #tpu.dot_dimension_numbers<[0], [0], [1], [1], [0, 1, 1, 1], [], []>, transpose_lhs_hint = false} : vector<24x256xbf16>, vector<24x256xbf16>, vector<256x256xf32> -> vector<256x256xf32>
    %reduce_min3A_923 = arith.constant dense<0x7F800000> : vector<256xf32>
    %reduce_min3A_924 = vector.multi_reduction <minimumf>, %dot_general3A_922, %reduce_min3A_923 [0] : vector<256x256xf32> to vector<256xf32>
    %broadcast_in_dim3A_925 = vector.shape_cast %reduce_min3A_924 : vector<256xf32> to vector<1x256xf32>
    %get3A_926 = arith.constant 0 : index
    %get3A_927 = arith.constant 256 : index
    %get3A_928 = vector.load %arg11[%get3A_926, %get3A_927] : memref<24x2048xbf16, #tpu.memory_space<vmem>>, vector<24x256xbf16>
    %dot_general3A_929 = arith.constant dense<0.000000e+00> : vector<256x256xf32>
    %dot_general3A_930 = tpu.matmul %get3A_928, %get3A_917, %dot_general3A_929 {dimension_numbers = #tpu.dot_dimension_numbers<[0], [0], [1], [1], [0, 1, 1, 1], [], []>, transpose_lhs_hint = false} : vector<24x256xbf16>, vector<24x256xbf16>, vector<256x256xf32> -> vector<256x256xf32>
    %reduce_min3A_931 = arith.constant dense<0x7F800000> : vector<256xf32>
    %reduce_min3A_932 = vector.multi_reduction <minimumf>, %dot_general3A_930, %reduce_min3A_931 [0] : vector<256x256xf32> to vector<256xf32>
    %broadcast_in_dim3A_933 = vector.shape_cast %reduce_min3A_932 : vector<256xf32> to vector<1x256xf32>
    %min3A_934 = arith.minimumf %broadcast_in_dim3A_925, %broadcast_in_dim3A_933 : vector<1x256xf32>
    %get3A_935 = arith.constant 0 : index
    %get3A_936 = arith.constant 512 : index
    %get3A_937 = vector.load %arg11[%get3A_935, %get3A_936] : memref<24x2048xbf16, #tpu.memory_space<vmem>>, vector<24x256xbf16>
    %dot_general3A_938 = arith.constant dense<0.000000e+00> : vector<256x256xf32>
    %dot_general3A_939 = tpu.matmul %get3A_937, %get3A_917, %dot_general3A_938 {dimension_numbers = #tpu.dot_dimension_numbers<[0], [0], [1], [1], [0, 1, 1, 1], [], []>, transpose_lhs_hint = false} : vector<24x256xbf16>, vector<24x256xbf16>, vector<256x256xf32> -> vector<256x256xf32>
    %reduce_min3A_940 = arith.constant dense<0x7F800000> : vector<256xf32>
    %reduce_min3A_941 = vector.multi_reduction <minimumf>, %dot_general3A_939, %reduce_min3A_940 [0] : vector<256x256xf32> to vector<256xf32>
    %broadcast_in_dim3A_942 = vector.shape_cast %reduce_min3A_941 : vector<256xf32> to vector<1x256xf32>
    %min3A_943 = arith.minimumf %min3A_934, %broadcast_in_dim3A_942 : vector<1x256xf32>
    %get3A_944 = arith.constant 0 : index
    %get3A_945 = arith.constant 768 : index
    %get3A_946 = vector.load %arg11[%get3A_944, %get3A_945] : memref<24x2048xbf16, #tpu.memory_space<vmem>>, vector<24x256xbf16>
    %dot_general3A_947 = arith.constant dense<0.000000e+00> : vector<256x256xf32>
    %dot_general3A_948 = tpu.matmul %get3A_946, %get3A_917, %dot_general3A_947 {dimension_numbers = #tpu.dot_dimension_numbers<[0], [0], [1], [1], [0, 1, 1, 1], [], []>, transpose_lhs_hint = false} : vector<24x256xbf16>, vector<24x256xbf16>, vector<256x256xf32> -> vector<256x256xf32>
    %reduce_min3A_949 = arith.constant dense<0x7F800000> : vector<256xf32>
    %reduce_min3A_950 = vector.multi_reduction <minimumf>, %dot_general3A_948, %reduce_min3A_949 [0] : vector<256x256xf32> to vector<256xf32>
    %broadcast_in_dim3A_951 = vector.shape_cast %reduce_min3A_950 : vector<256xf32> to vector<1x256xf32>
    %min3A_952 = arith.minimumf %min3A_943, %broadcast_in_dim3A_951 : vector<1x256xf32>
    %get3A_953 = arith.constant 0 : index
    %get3A_954 = arith.constant 1024 : index
    %get3A_955 = vector.load %arg11[%get3A_953, %get3A_954] : memref<24x2048xbf16, #tpu.memory_space<vmem>>, vector<24x256xbf16>
    %dot_general3A_956 = arith.constant dense<0.000000e+00> : vector<256x256xf32>
    %dot_general3A_957 = tpu.matmul %get3A_955, %get3A_917, %dot_general3A_956 {dimension_numbers = #tpu.dot_dimension_numbers<[0], [0], [1], [1], [0, 1, 1, 1], [], []>, transpose_lhs_hint = false} : vector<24x256xbf16>, vector<24x256xbf16>, vector<256x256xf32> -> vector<256x256xf32>
    %reduce_min3A_958 = arith.constant dense<0x7F800000> : vector<256xf32>
    %reduce_min3A_959 = vector.multi_reduction <minimumf>, %dot_general3A_957, %reduce_min3A_958 [0] : vector<256x256xf32> to vector<256xf32>
    %broadcast_in_dim3A_960 = vector.shape_cast %reduce_min3A_959 : vector<256xf32> to vector<1x256xf32>
    %min3A_961 = arith.minimumf %min3A_952, %broadcast_in_dim3A_960 : vector<1x256xf32>
    %get3A_962 = arith.constant 0 : index
    %get3A_963 = arith.constant 1280 : index
    %get3A_964 = vector.load %arg11[%get3A_962, %get3A_963] : memref<24x2048xbf16, #tpu.memory_space<vmem>>, vector<24x256xbf16>
    %dot_general3A_965 = arith.constant dense<0.000000e+00> : vector<256x256xf32>
    %dot_general3A_966 = tpu.matmul %get3A_964, %get3A_917, %dot_general3A_965 {dimension_numbers = #tpu.dot_dimension_numbers<[0], [0], [1], [1], [0, 1, 1, 1], [], []>, transpose_lhs_hint = false} : vector<24x256xbf16>, vector<24x256xbf16>, vector<256x256xf32> -> vector<256x256xf32>
    %reduce_min3A_967 = arith.constant dense<0x7F800000> : vector<256xf32>
    %reduce_min3A_968 = vector.multi_reduction <minimumf>, %dot_general3A_966, %reduce_min3A_967 [0] : vector<256x256xf32> to vector<256xf32>
    %broadcast_in_dim3A_969 = vector.shape_cast %reduce_min3A_968 : vector<256xf32> to vector<1x256xf32>
    %min3A_970 = arith.minimumf %min3A_961, %broadcast_in_dim3A_969 : vector<1x256xf32>
    %get3A_971 = arith.constant 0 : index
    %get3A_972 = arith.constant 1536 : index
    %get3A_973 = vector.load %arg11[%get3A_971, %get3A_972] : memref<24x2048xbf16, #tpu.memory_space<vmem>>, vector<24x256xbf16>
    %dot_general3A_974 = arith.constant dense<0.000000e+00> : vector<256x256xf32>
    %dot_general3A_975 = tpu.matmul %get3A_973, %get3A_917, %dot_general3A_974 {dimension_numbers = #tpu.dot_dimension_numbers<[0], [0], [1], [1], [0, 1, 1, 1], [], []>, transpose_lhs_hint = false} : vector<24x256xbf16>, vector<24x256xbf16>, vector<256x256xf32> -> vector<256x256xf32>
    %reduce_min3A_976 = arith.constant dense<0x7F800000> : vector<256xf32>
    %reduce_min3A_977 = vector.multi_reduction <minimumf>, %dot_general3A_975, %reduce_min3A_976 [0] : vector<256x256xf32> to vector<256xf32>
    %broadcast_in_dim3A_978 = vector.shape_cast %reduce_min3A_977 : vector<256xf32> to vector<1x256xf32>
    %min3A_979 = arith.minimumf %min3A_970, %broadcast_in_dim3A_978 : vector<1x256xf32>
    %get3A_980 = arith.constant 0 : index
    %get3A_981 = arith.constant 1792 : index
    %get3A_982 = vector.load %arg11[%get3A_980, %get3A_981] : memref<24x2048xbf16, #tpu.memory_space<vmem>>, vector<24x256xbf16>
    %dot_general3A_983 = arith.constant dense<0.000000e+00> : vector<256x256xf32>
    %dot_general3A_984 = tpu.matmul %get3A_982, %get3A_917, %dot_general3A_983 {dimension_numbers = #tpu.dot_dimension_numbers<[0], [0], [1], [1], [0, 1, 1, 1], [], []>, transpose_lhs_hint = false} : vector<24x256xbf16>, vector<24x256xbf16>, vector<256x256xf32> -> vector<256x256xf32>
    %reduce_min3A_985 = arith.constant dense<0x7F800000> : vector<256xf32>
    %reduce_min3A_986 = vector.multi_reduction <minimumf>, %dot_general3A_984, %reduce_min3A_985 [0] : vector<256x256xf32> to vector<256xf32>
    %broadcast_in_dim3A_987 = vector.shape_cast %reduce_min3A_986 : vector<256xf32> to vector<1x256xf32>
    %min3A_988 = arith.minimumf %min3A_979, %broadcast_in_dim3A_987 : vector<1x256xf32>
    %get3A_989 = arith.constant 0 : index
    %get3A_990 = arith.constant 1280 : index
    %get3A_991 = vector.load %arg12[%get3A_989, %get3A_990] : memref<1x2304xf32, #tpu.memory_space<vmem>>, vector<1x256xf32>
    %get3A_992 = arith.constant 0 : index
    %get3A_993 = arith.constant 1280 : index
    %get3A_994 = vector.load %arg3[%get3A_992, %get3A_993] : memref<1x2304xf32, #tpu.memory_space<vmem>>, vector<1x256xf32>
    %add3A_995 = arith.addf %min3A_988, %get3A_991 : vector<1x256xf32>
    %mul3A_996 = arith.mulf %get3A_994, %add3A_995 : vector<1x256xf32>
    %add3A_997 = arith.addf %add3A_914, %mul3A_996 : vector<1x256xf32>
    %get3A_998 = arith.constant 0 : index
    %get3A_999 = arith.constant 1536 : index
    %get3A_1000 = vector.load %arg10[%get3A_998, %get3A_999] : memref<24x2304xbf16, #tpu.memory_space<vmem>>, vector<24x256xbf16>
    %get3A_1001 = arith.constant 0 : index
    %get3A_1002 = arith.constant 0 : index
    %get3A_1003 = vector.load %arg11[%get3A_1001, %get3A_1002] : memref<24x2048xbf16, #tpu.memory_space<vmem>>, vector<24x256xbf16>
    %dot_general3A_1004 = arith.constant dense<0.000000e+00> : vector<256x256xf32>
    %dot_general3A_1005 = tpu.matmul %get3A_1003, %get3A_1000, %dot_general3A_1004 {dimension_numbers = #tpu.dot_dimension_numbers<[0], [0], [1], [1], [0, 1, 1, 1], [], []>, transpose_lhs_hint = false} : vector<24x256xbf16>, vector<24x256xbf16>, vector<256x256xf32> -> vector<256x256xf32>
    %reduce_min3A_1006 = arith.constant dense<0x7F800000> : vector<256xf32>
    %reduce_min3A_1007 = vector.multi_reduction <minimumf>, %dot_general3A_1005, %reduce_min3A_1006 [0] : vector<256x256xf32> to vector<256xf32>
    %broadcast_in_dim3A_1008 = vector.shape_cast %reduce_min3A_1007 : vector<256xf32> to vector<1x256xf32>
    %get3A_1009 = arith.constant 0 : index
    %get3A_1010 = arith.constant 256 : index
    %get3A_1011 = vector.load %arg11[%get3A_1009, %get3A_1010] : memref<24x2048xbf16, #tpu.memory_space<vmem>>, vector<24x256xbf16>
    %dot_general3A_1012 = arith.constant dense<0.000000e+00> : vector<256x256xf32>
    %dot_general3A_1013 = tpu.matmul %get3A_1011, %get3A_1000, %dot_general3A_1012 {dimension_numbers = #tpu.dot_dimension_numbers<[0], [0], [1], [1], [0, 1, 1, 1], [], []>, transpose_lhs_hint = false} : vector<24x256xbf16>, vector<24x256xbf16>, vector<256x256xf32> -> vector<256x256xf32>
    %reduce_min3A_1014 = arith.constant dense<0x7F800000> : vector<256xf32>
    %reduce_min3A_1015 = vector.multi_reduction <minimumf>, %dot_general3A_1013, %reduce_min3A_1014 [0] : vector<256x256xf32> to vector<256xf32>
    %broadcast_in_dim3A_1016 = vector.shape_cast %reduce_min3A_1015 : vector<256xf32> to vector<1x256xf32>
    %min3A_1017 = arith.minimumf %broadcast_in_dim3A_1008, %broadcast_in_dim3A_1016 : vector<1x256xf32>
    %get3A_1018 = arith.constant 0 : index
    %get3A_1019 = arith.constant 512 : index
    %get3A_1020 = vector.load %arg11[%get3A_1018, %get3A_1019] : memref<24x2048xbf16, #tpu.memory_space<vmem>>, vector<24x256xbf16>
    %dot_general3A_1021 = arith.constant dense<0.000000e+00> : vector<256x256xf32>
    %dot_general3A_1022 = tpu.matmul %get3A_1020, %get3A_1000, %dot_general3A_1021 {dimension_numbers = #tpu.dot_dimension_numbers<[0], [0], [1], [1], [0, 1, 1, 1], [], []>, transpose_lhs_hint = false} : vector<24x256xbf16>, vector<24x256xbf16>, vector<256x256xf32> -> vector<256x256xf32>
    %reduce_min3A_1023 = arith.constant dense<0x7F800000> : vector<256xf32>
    %reduce_min3A_1024 = vector.multi_reduction <minimumf>, %dot_general3A_1022, %reduce_min3A_1023 [0] : vector<256x256xf32> to vector<256xf32>
    %broadcast_in_dim3A_1025 = vector.shape_cast %reduce_min3A_1024 : vector<256xf32> to vector<1x256xf32>
    %min3A_1026 = arith.minimumf %min3A_1017, %broadcast_in_dim3A_1025 : vector<1x256xf32>
    %get3A_1027 = arith.constant 0 : index
    %get3A_1028 = arith.constant 768 : index
    %get3A_1029 = vector.load %arg11[%get3A_1027, %get3A_1028] : memref<24x2048xbf16, #tpu.memory_space<vmem>>, vector<24x256xbf16>
    %dot_general3A_1030 = arith.constant dense<0.000000e+00> : vector<256x256xf32>
    %dot_general3A_1031 = tpu.matmul %get3A_1029, %get3A_1000, %dot_general3A_1030 {dimension_numbers = #tpu.dot_dimension_numbers<[0], [0], [1], [1], [0, 1, 1, 1], [], []>, transpose_lhs_hint = false} : vector<24x256xbf16>, vector<24x256xbf16>, vector<256x256xf32> -> vector<256x256xf32>
    %reduce_min3A_1032 = arith.constant dense<0x7F800000> : vector<256xf32>
    %reduce_min3A_1033 = vector.multi_reduction <minimumf>, %dot_general3A_1031, %reduce_min3A_1032 [0] : vector<256x256xf32> to vector<256xf32>
    %broadcast_in_dim3A_1034 = vector.shape_cast %reduce_min3A_1033 : vector<256xf32> to vector<1x256xf32>
    %min3A_1035 = arith.minimumf %min3A_1026, %broadcast_in_dim3A_1034 : vector<1x256xf32>
    %get3A_1036 = arith.constant 0 : index
    %get3A_1037 = arith.constant 1024 : index
    %get3A_1038 = vector.load %arg11[%get3A_1036, %get3A_1037] : memref<24x2048xbf16, #tpu.memory_space<vmem>>, vector<24x256xbf16>
    %dot_general3A_1039 = arith.constant dense<0.000000e+00> : vector<256x256xf32>
    %dot_general3A_1040 = tpu.matmul %get3A_1038, %get3A_1000, %dot_general3A_1039 {dimension_numbers = #tpu.dot_dimension_numbers<[0], [0], [1], [1], [0, 1, 1, 1], [], []>, transpose_lhs_hint = false} : vector<24x256xbf16>, vector<24x256xbf16>, vector<256x256xf32> -> vector<256x256xf32>
    %reduce_min3A_1041 = arith.constant dense<0x7F800000> : vector<256xf32>
    %reduce_min3A_1042 = vector.multi_reduction <minimumf>, %dot_general3A_1040, %reduce_min3A_1041 [0] : vector<256x256xf32> to vector<256xf32>
    %broadcast_in_dim3A_1043 = vector.shape_cast %reduce_min3A_1042 : vector<256xf32> to vector<1x256xf32>
    %min3A_1044 = arith.minimumf %min3A_1035, %broadcast_in_dim3A_1043 : vector<1x256xf32>
    %get3A_1045 = arith.constant 0 : index
    %get3A_1046 = arith.constant 1280 : index
    %get3A_1047 = vector.load %arg11[%get3A_1045, %get3A_1046] : memref<24x2048xbf16, #tpu.memory_space<vmem>>, vector<24x256xbf16>
    %dot_general3A_1048 = arith.constant dense<0.000000e+00> : vector<256x256xf32>
    %dot_general3A_1049 = tpu.matmul %get3A_1047, %get3A_1000, %dot_general3A_1048 {dimension_numbers = #tpu.dot_dimension_numbers<[0], [0], [1], [1], [0, 1, 1, 1], [], []>, transpose_lhs_hint = false} : vector<24x256xbf16>, vector<24x256xbf16>, vector<256x256xf32> -> vector<256x256xf32>
    %reduce_min3A_1050 = arith.constant dense<0x7F800000> : vector<256xf32>
    %reduce_min3A_1051 = vector.multi_reduction <minimumf>, %dot_general3A_1049, %reduce_min3A_1050 [0] : vector<256x256xf32> to vector<256xf32>
    %broadcast_in_dim3A_1052 = vector.shape_cast %reduce_min3A_1051 : vector<256xf32> to vector<1x256xf32>
    %min3A_1053 = arith.minimumf %min3A_1044, %broadcast_in_dim3A_1052 : vector<1x256xf32>
    %get3A_1054 = arith.constant 0 : index
    %get3A_1055 = arith.constant 1536 : index
    %get3A_1056 = vector.load %arg11[%get3A_1054, %get3A_1055] : memref<24x2048xbf16, #tpu.memory_space<vmem>>, vector<24x256xbf16>
    %dot_general3A_1057 = arith.constant dense<0.000000e+00> : vector<256x256xf32>
    %dot_general3A_1058 = tpu.matmul %get3A_1056, %get3A_1000, %dot_general3A_1057 {dimension_numbers = #tpu.dot_dimension_numbers<[0], [0], [1], [1], [0, 1, 1, 1], [], []>, transpose_lhs_hint = false} : vector<24x256xbf16>, vector<24x256xbf16>, vector<256x256xf32> -> vector<256x256xf32>
    %reduce_min3A_1059 = arith.constant dense<0x7F800000> : vector<256xf32>
    %reduce_min3A_1060 = vector.multi_reduction <minimumf>, %dot_general3A_1058, %reduce_min3A_1059 [0] : vector<256x256xf32> to vector<256xf32>
    %broadcast_in_dim3A_1061 = vector.shape_cast %reduce_min3A_1060 : vector<256xf32> to vector<1x256xf32>
    %min3A_1062 = arith.minimumf %min3A_1053, %broadcast_in_dim3A_1061 : vector<1x256xf32>
    %get3A_1063 = arith.constant 0 : index
    %get3A_1064 = arith.constant 1792 : index
    %get3A_1065 = vector.load %arg11[%get3A_1063, %get3A_1064] : memref<24x2048xbf16, #tpu.memory_space<vmem>>, vector<24x256xbf16>
    %dot_general3A_1066 = arith.constant dense<0.000000e+00> : vector<256x256xf32>
    %dot_general3A_1067 = tpu.matmul %get3A_1065, %get3A_1000, %dot_general3A_1066 {dimension_numbers = #tpu.dot_dimension_numbers<[0], [0], [1], [1], [0, 1, 1, 1], [], []>, transpose_lhs_hint = false} : vector<24x256xbf16>, vector<24x256xbf16>, vector<256x256xf32> -> vector<256x256xf32>
    %reduce_min3A_1068 = arith.constant dense<0x7F800000> : vector<256xf32>
    %reduce_min3A_1069 = vector.multi_reduction <minimumf>, %dot_general3A_1067, %reduce_min3A_1068 [0] : vector<256x256xf32> to vector<256xf32>
    %broadcast_in_dim3A_1070 = vector.shape_cast %reduce_min3A_1069 : vector<256xf32> to vector<1x256xf32>
    %min3A_1071 = arith.minimumf %min3A_1062, %broadcast_in_dim3A_1070 : vector<1x256xf32>
    %get3A_1072 = arith.constant 0 : index
    %get3A_1073 = arith.constant 1536 : index
    %get3A_1074 = vector.load %arg12[%get3A_1072, %get3A_1073] : memref<1x2304xf32, #tpu.memory_space<vmem>>, vector<1x256xf32>
    %get3A_1075 = arith.constant 0 : index
    %get3A_1076 = arith.constant 1536 : index
    %get3A_1077 = vector.load %arg3[%get3A_1075, %get3A_1076] : memref<1x2304xf32, #tpu.memory_space<vmem>>, vector<1x256xf32>
    %add3A_1078 = arith.addf %min3A_1071, %get3A_1074 : vector<1x256xf32>
    %mul3A_1079 = arith.mulf %get3A_1077, %add3A_1078 : vector<1x256xf32>
    %add3A_1080 = arith.addf %add3A_997, %mul3A_1079 : vector<1x256xf32>
    %get3A_1081 = arith.constant 0 : index
    %get3A_1082 = arith.constant 1792 : index
    %get3A_1083 = vector.load %arg10[%get3A_1081, %get3A_1082] : memref<24x2304xbf16, #tpu.memory_space<vmem>>, vector<24x256xbf16>
    %get3A_1084 = arith.constant 0 : index
    %get3A_1085 = arith.constant 0 : index
    %get3A_1086 = vector.load %arg11[%get3A_1084, %get3A_1085] : memref<24x2048xbf16, #tpu.memory_space<vmem>>, vector<24x256xbf16>
    %dot_general3A_1087 = arith.constant dense<0.000000e+00> : vector<256x256xf32>
    %dot_general3A_1088 = tpu.matmul %get3A_1086, %get3A_1083, %dot_general3A_1087 {dimension_numbers = #tpu.dot_dimension_numbers<[0], [0], [1], [1], [0, 1, 1, 1], [], []>, transpose_lhs_hint = false} : vector<24x256xbf16>, vector<24x256xbf16>, vector<256x256xf32> -> vector<256x256xf32>
    %reduce_min3A_1089 = arith.constant dense<0x7F800000> : vector<256xf32>
    %reduce_min3A_1090 = vector.multi_reduction <minimumf>, %dot_general3A_1088, %reduce_min3A_1089 [0] : vector<256x256xf32> to vector<256xf32>
    %broadcast_in_dim3A_1091 = vector.shape_cast %reduce_min3A_1090 : vector<256xf32> to vector<1x256xf32>
    %get3A_1092 = arith.constant 0 : index
    %get3A_1093 = arith.constant 256 : index
    %get3A_1094 = vector.load %arg11[%get3A_1092, %get3A_1093] : memref<24x2048xbf16, #tpu.memory_space<vmem>>, vector<24x256xbf16>
    %dot_general3A_1095 = arith.constant dense<0.000000e+00> : vector<256x256xf32>
    %dot_general3A_1096 = tpu.matmul %get3A_1094, %get3A_1083, %dot_general3A_1095 {dimension_numbers = #tpu.dot_dimension_numbers<[0], [0], [1], [1], [0, 1, 1, 1], [], []>, transpose_lhs_hint = false} : vector<24x256xbf16>, vector<24x256xbf16>, vector<256x256xf32> -> vector<256x256xf32>
    %reduce_min3A_1097 = arith.constant dense<0x7F800000> : vector<256xf32>
    %reduce_min3A_1098 = vector.multi_reduction <minimumf>, %dot_general3A_1096, %reduce_min3A_1097 [0] : vector<256x256xf32> to vector<256xf32>
    %broadcast_in_dim3A_1099 = vector.shape_cast %reduce_min3A_1098 : vector<256xf32> to vector<1x256xf32>
    %min3A_1100 = arith.minimumf %broadcast_in_dim3A_1091, %broadcast_in_dim3A_1099 : vector<1x256xf32>
    %get3A_1101 = arith.constant 0 : index
    %get3A_1102 = arith.constant 512 : index
    %get3A_1103 = vector.load %arg11[%get3A_1101, %get3A_1102] : memref<24x2048xbf16, #tpu.memory_space<vmem>>, vector<24x256xbf16>
    %dot_general3A_1104 = arith.constant dense<0.000000e+00> : vector<256x256xf32>
    %dot_general3A_1105 = tpu.matmul %get3A_1103, %get3A_1083, %dot_general3A_1104 {dimension_numbers = #tpu.dot_dimension_numbers<[0], [0], [1], [1], [0, 1, 1, 1], [], []>, transpose_lhs_hint = false} : vector<24x256xbf16>, vector<24x256xbf16>, vector<256x256xf32> -> vector<256x256xf32>
    %reduce_min3A_1106 = arith.constant dense<0x7F800000> : vector<256xf32>
    %reduce_min3A_1107 = vector.multi_reduction <minimumf>, %dot_general3A_1105, %reduce_min3A_1106 [0] : vector<256x256xf32> to vector<256xf32>
    %broadcast_in_dim3A_1108 = vector.shape_cast %reduce_min3A_1107 : vector<256xf32> to vector<1x256xf32>
    %min3A_1109 = arith.minimumf %min3A_1100, %broadcast_in_dim3A_1108 : vector<1x256xf32>
    %get3A_1110 = arith.constant 0 : index
    %get3A_1111 = arith.constant 768 : index
    %get3A_1112 = vector.load %arg11[%get3A_1110, %get3A_1111] : memref<24x2048xbf16, #tpu.memory_space<vmem>>, vector<24x256xbf16>
    %dot_general3A_1113 = arith.constant dense<0.000000e+00> : vector<256x256xf32>
    %dot_general3A_1114 = tpu.matmul %get3A_1112, %get3A_1083, %dot_general3A_1113 {dimension_numbers = #tpu.dot_dimension_numbers<[0], [0], [1], [1], [0, 1, 1, 1], [], []>, transpose_lhs_hint = false} : vector<24x256xbf16>, vector<24x256xbf16>, vector<256x256xf32> -> vector<256x256xf32>
    %reduce_min3A_1115 = arith.constant dense<0x7F800000> : vector<256xf32>
    %reduce_min3A_1116 = vector.multi_reduction <minimumf>, %dot_general3A_1114, %reduce_min3A_1115 [0] : vector<256x256xf32> to vector<256xf32>
    %broadcast_in_dim3A_1117 = vector.shape_cast %reduce_min3A_1116 : vector<256xf32> to vector<1x256xf32>
    %min3A_1118 = arith.minimumf %min3A_1109, %broadcast_in_dim3A_1117 : vector<1x256xf32>
    %get3A_1119 = arith.constant 0 : index
    %get3A_1120 = arith.constant 1024 : index
    %get3A_1121 = vector.load %arg11[%get3A_1119, %get3A_1120] : memref<24x2048xbf16, #tpu.memory_space<vmem>>, vector<24x256xbf16>
    %dot_general3A_1122 = arith.constant dense<0.000000e+00> : vector<256x256xf32>
    %dot_general3A_1123 = tpu.matmul %get3A_1121, %get3A_1083, %dot_general3A_1122 {dimension_numbers = #tpu.dot_dimension_numbers<[0], [0], [1], [1], [0, 1, 1, 1], [], []>, transpose_lhs_hint = false} : vector<24x256xbf16>, vector<24x256xbf16>, vector<256x256xf32> -> vector<256x256xf32>
    %reduce_min3A_1124 = arith.constant dense<0x7F800000> : vector<256xf32>
    %reduce_min3A_1125 = vector.multi_reduction <minimumf>, %dot_general3A_1123, %reduce_min3A_1124 [0] : vector<256x256xf32> to vector<256xf32>
    %broadcast_in_dim3A_1126 = vector.shape_cast %reduce_min3A_1125 : vector<256xf32> to vector<1x256xf32>
    %min3A_1127 = arith.minimumf %min3A_1118, %broadcast_in_dim3A_1126 : vector<1x256xf32>
    %get3A_1128 = arith.constant 0 : index
    %get3A_1129 = arith.constant 1280 : index
    %get3A_1130 = vector.load %arg11[%get3A_1128, %get3A_1129] : memref<24x2048xbf16, #tpu.memory_space<vmem>>, vector<24x256xbf16>
    %dot_general3A_1131 = arith.constant dense<0.000000e+00> : vector<256x256xf32>
    %dot_general3A_1132 = tpu.matmul %get3A_1130, %get3A_1083, %dot_general3A_1131 {dimension_numbers = #tpu.dot_dimension_numbers<[0], [0], [1], [1], [0, 1, 1, 1], [], []>, transpose_lhs_hint = false} : vector<24x256xbf16>, vector<24x256xbf16>, vector<256x256xf32> -> vector<256x256xf32>
    %reduce_min3A_1133 = arith.constant dense<0x7F800000> : vector<256xf32>
    %reduce_min3A_1134 = vector.multi_reduction <minimumf>, %dot_general3A_1132, %reduce_min3A_1133 [0] : vector<256x256xf32> to vector<256xf32>
    %broadcast_in_dim3A_1135 = vector.shape_cast %reduce_min3A_1134 : vector<256xf32> to vector<1x256xf32>
    %min3A_1136 = arith.minimumf %min3A_1127, %broadcast_in_dim3A_1135 : vector<1x256xf32>
    %get3A_1137 = arith.constant 0 : index
    %get3A_1138 = arith.constant 1536 : index
    %get3A_1139 = vector.load %arg11[%get3A_1137, %get3A_1138] : memref<24x2048xbf16, #tpu.memory_space<vmem>>, vector<24x256xbf16>
    %dot_general3A_1140 = arith.constant dense<0.000000e+00> : vector<256x256xf32>
    %dot_general3A_1141 = tpu.matmul %get3A_1139, %get3A_1083, %dot_general3A_1140 {dimension_numbers = #tpu.dot_dimension_numbers<[0], [0], [1], [1], [0, 1, 1, 1], [], []>, transpose_lhs_hint = false} : vector<24x256xbf16>, vector<24x256xbf16>, vector<256x256xf32> -> vector<256x256xf32>
    %reduce_min3A_1142 = arith.constant dense<0x7F800000> : vector<256xf32>
    %reduce_min3A_1143 = vector.multi_reduction <minimumf>, %dot_general3A_1141, %reduce_min3A_1142 [0] : vector<256x256xf32> to vector<256xf32>
    %broadcast_in_dim3A_1144 = vector.shape_cast %reduce_min3A_1143 : vector<256xf32> to vector<1x256xf32>
    %min3A_1145 = arith.minimumf %min3A_1136, %broadcast_in_dim3A_1144 : vector<1x256xf32>
    %get3A_1146 = arith.constant 0 : index
    %get3A_1147 = arith.constant 1792 : index
    %get3A_1148 = vector.load %arg11[%get3A_1146, %get3A_1147] : memref<24x2048xbf16, #tpu.memory_space<vmem>>, vector<24x256xbf16>
    %dot_general3A_1149 = arith.constant dense<0.000000e+00> : vector<256x256xf32>
    %dot_general3A_1150 = tpu.matmul %get3A_1148, %get3A_1083, %dot_general3A_1149 {dimension_numbers = #tpu.dot_dimension_numbers<[0], [0], [1], [1], [0, 1, 1, 1], [], []>, transpose_lhs_hint = false} : vector<24x256xbf16>, vector<24x256xbf16>, vector<256x256xf32> -> vector<256x256xf32>
    %reduce_min3A_1151 = arith.constant dense<0x7F800000> : vector<256xf32>
    %reduce_min3A_1152 = vector.multi_reduction <minimumf>, %dot_general3A_1150, %reduce_min3A_1151 [0] : vector<256x256xf32> to vector<256xf32>
    %broadcast_in_dim3A_1153 = vector.shape_cast %reduce_min3A_1152 : vector<256xf32> to vector<1x256xf32>
    %min3A_1154 = arith.minimumf %min3A_1145, %broadcast_in_dim3A_1153 : vector<1x256xf32>
    %get3A_1155 = arith.constant 0 : index
    %get3A_1156 = arith.constant 1792 : index
    %get3A_1157 = vector.load %arg12[%get3A_1155, %get3A_1156] : memref<1x2304xf32, #tpu.memory_space<vmem>>, vector<1x256xf32>
    %get3A_1158 = arith.constant 0 : index
    %get3A_1159 = arith.constant 1792 : index
    %get3A_1160 = vector.load %arg3[%get3A_1158, %get3A_1159] : memref<1x2304xf32, #tpu.memory_space<vmem>>, vector<1x256xf32>
    %add3A_1161 = arith.addf %min3A_1154, %get3A_1157 : vector<1x256xf32>
    %mul3A_1162 = arith.mulf %get3A_1160, %add3A_1161 : vector<1x256xf32>
    %add3A_1163 = arith.addf %add3A_1080, %mul3A_1162 : vector<1x256xf32>
    %get3A_1164 = arith.constant 0 : index
    %get3A_1165 = arith.constant 2048 : index
    %get3A_1166 = vector.load %arg10[%get3A_1164, %get3A_1165] : memref<24x2304xbf16, #tpu.memory_space<vmem>>, vector<24x256xbf16>
    %get3A_1167 = arith.constant 0 : index
    %get3A_1168 = arith.constant 0 : index
    %get3A_1169 = vector.load %arg11[%get3A_1167, %get3A_1168] : memref<24x2048xbf16, #tpu.memory_space<vmem>>, vector<24x256xbf16>
    %dot_general3A_1170 = arith.constant dense<0.000000e+00> : vector<256x256xf32>
    %dot_general3A_1171 = tpu.matmul %get3A_1169, %get3A_1166, %dot_general3A_1170 {dimension_numbers = #tpu.dot_dimension_numbers<[0], [0], [1], [1], [0, 1, 1, 1], [], []>, transpose_lhs_hint = false} : vector<24x256xbf16>, vector<24x256xbf16>, vector<256x256xf32> -> vector<256x256xf32>
    %reduce_min3A_1172 = arith.constant dense<0x7F800000> : vector<256xf32>
    %reduce_min3A_1173 = vector.multi_reduction <minimumf>, %dot_general3A_1171, %reduce_min3A_1172 [0] : vector<256x256xf32> to vector<256xf32>
    %broadcast_in_dim3A_1174 = vector.shape_cast %reduce_min3A_1173 : vector<256xf32> to vector<1x256xf32>
    %get3A_1175 = arith.constant 0 : index
    %get3A_1176 = arith.constant 256 : index
    %get3A_1177 = vector.load %arg11[%get3A_1175, %get3A_1176] : memref<24x2048xbf16, #tpu.memory_space<vmem>>, vector<24x256xbf16>
    %dot_general3A_1178 = arith.constant dense<0.000000e+00> : vector<256x256xf32>
    %dot_general3A_1179 = tpu.matmul %get3A_1177, %get3A_1166, %dot_general3A_1178 {dimension_numbers = #tpu.dot_dimension_numbers<[0], [0], [1], [1], [0, 1, 1, 1], [], []>, transpose_lhs_hint = false} : vector<24x256xbf16>, vector<24x256xbf16>, vector<256x256xf32> -> vector<256x256xf32>
    %reduce_min3A_1180 = arith.constant dense<0x7F800000> : vector<256xf32>
    %reduce_min3A_1181 = vector.multi_reduction <minimumf>, %dot_general3A_1179, %reduce_min3A_1180 [0] : vector<256x256xf32> to vector<256xf32>
    %broadcast_in_dim3A_1182 = vector.shape_cast %reduce_min3A_1181 : vector<256xf32> to vector<1x256xf32>
    %min3A_1183 = arith.minimumf %broadcast_in_dim3A_1174, %broadcast_in_dim3A_1182 : vector<1x256xf32>
    %get3A_1184 = arith.constant 0 : index
    %get3A_1185 = arith.constant 512 : index
    %get3A_1186 = vector.load %arg11[%get3A_1184, %get3A_1185] : memref<24x2048xbf16, #tpu.memory_space<vmem>>, vector<24x256xbf16>
    %dot_general3A_1187 = arith.constant dense<0.000000e+00> : vector<256x256xf32>
    %dot_general3A_1188 = tpu.matmul %get3A_1186, %get3A_1166, %dot_general3A_1187 {dimension_numbers = #tpu.dot_dimension_numbers<[0], [0], [1], [1], [0, 1, 1, 1], [], []>, transpose_lhs_hint = false} : vector<24x256xbf16>, vector<24x256xbf16>, vector<256x256xf32> -> vector<256x256xf32>
    %reduce_min3A_1189 = arith.constant dense<0x7F800000> : vector<256xf32>
    %reduce_min3A_1190 = vector.multi_reduction <minimumf>, %dot_general3A_1188, %reduce_min3A_1189 [0] : vector<256x256xf32> to vector<256xf32>
    %broadcast_in_dim3A_1191 = vector.shape_cast %reduce_min3A_1190 : vector<256xf32> to vector<1x256xf32>
    %min3A_1192 = arith.minimumf %min3A_1183, %broadcast_in_dim3A_1191 : vector<1x256xf32>
    %get3A_1193 = arith.constant 0 : index
    %get3A_1194 = arith.constant 768 : index
    %get3A_1195 = vector.load %arg11[%get3A_1193, %get3A_1194] : memref<24x2048xbf16, #tpu.memory_space<vmem>>, vector<24x256xbf16>
    %dot_general3A_1196 = arith.constant dense<0.000000e+00> : vector<256x256xf32>
    %dot_general3A_1197 = tpu.matmul %get3A_1195, %get3A_1166, %dot_general3A_1196 {dimension_numbers = #tpu.dot_dimension_numbers<[0], [0], [1], [1], [0, 1, 1, 1], [], []>, transpose_lhs_hint = false} : vector<24x256xbf16>, vector<24x256xbf16>, vector<256x256xf32> -> vector<256x256xf32>
    %reduce_min3A_1198 = arith.constant dense<0x7F800000> : vector<256xf32>
    %reduce_min3A_1199 = vector.multi_reduction <minimumf>, %dot_general3A_1197, %reduce_min3A_1198 [0] : vector<256x256xf32> to vector<256xf32>
    %broadcast_in_dim3A_1200 = vector.shape_cast %reduce_min3A_1199 : vector<256xf32> to vector<1x256xf32>
    %min3A_1201 = arith.minimumf %min3A_1192, %broadcast_in_dim3A_1200 : vector<1x256xf32>
    %get3A_1202 = arith.constant 0 : index
    %get3A_1203 = arith.constant 1024 : index
    %get3A_1204 = vector.load %arg11[%get3A_1202, %get3A_1203] : memref<24x2048xbf16, #tpu.memory_space<vmem>>, vector<24x256xbf16>
    %dot_general3A_1205 = arith.constant dense<0.000000e+00> : vector<256x256xf32>
    %dot_general3A_1206 = tpu.matmul %get3A_1204, %get3A_1166, %dot_general3A_1205 {dimension_numbers = #tpu.dot_dimension_numbers<[0], [0], [1], [1], [0, 1, 1, 1], [], []>, transpose_lhs_hint = false} : vector<24x256xbf16>, vector<24x256xbf16>, vector<256x256xf32> -> vector<256x256xf32>
    %reduce_min3A_1207 = arith.constant dense<0x7F800000> : vector<256xf32>
    %reduce_min3A_1208 = vector.multi_reduction <minimumf>, %dot_general3A_1206, %reduce_min3A_1207 [0] : vector<256x256xf32> to vector<256xf32>
    %broadcast_in_dim3A_1209 = vector.shape_cast %reduce_min3A_1208 : vector<256xf32> to vector<1x256xf32>
    %min3A_1210 = arith.minimumf %min3A_1201, %broadcast_in_dim3A_1209 : vector<1x256xf32>
    %get3A_1211 = arith.constant 0 : index
    %get3A_1212 = arith.constant 1280 : index
    %get3A_1213 = vector.load %arg11[%get3A_1211, %get3A_1212] : memref<24x2048xbf16, #tpu.memory_space<vmem>>, vector<24x256xbf16>
    %dot_general3A_1214 = arith.constant dense<0.000000e+00> : vector<256x256xf32>
    %dot_general3A_1215 = tpu.matmul %get3A_1213, %get3A_1166, %dot_general3A_1214 {dimension_numbers = #tpu.dot_dimension_numbers<[0], [0], [1], [1], [0, 1, 1, 1], [], []>, transpose_lhs_hint = false} : vector<24x256xbf16>, vector<24x256xbf16>, vector<256x256xf32> -> vector<256x256xf32>
    %reduce_min3A_1216 = arith.constant dense<0x7F800000> : vector<256xf32>
    %reduce_min3A_1217 = vector.multi_reduction <minimumf>, %dot_general3A_1215, %reduce_min3A_1216 [0] : vector<256x256xf32> to vector<256xf32>
    %broadcast_in_dim3A_1218 = vector.shape_cast %reduce_min3A_1217 : vector<256xf32> to vector<1x256xf32>
    %min3A_1219 = arith.minimumf %min3A_1210, %broadcast_in_dim3A_1218 : vector<1x256xf32>
    %get3A_1220 = arith.constant 0 : index
    %get3A_1221 = arith.constant 1536 : index
    %get3A_1222 = vector.load %arg11[%get3A_1220, %get3A_1221] : memref<24x2048xbf16, #tpu.memory_space<vmem>>, vector<24x256xbf16>
    %dot_general3A_1223 = arith.constant dense<0.000000e+00> : vector<256x256xf32>
    %dot_general3A_1224 = tpu.matmul %get3A_1222, %get3A_1166, %dot_general3A_1223 {dimension_numbers = #tpu.dot_dimension_numbers<[0], [0], [1], [1], [0, 1, 1, 1], [], []>, transpose_lhs_hint = false} : vector<24x256xbf16>, vector<24x256xbf16>, vector<256x256xf32> -> vector<256x256xf32>
    %reduce_min3A_1225 = arith.constant dense<0x7F800000> : vector<256xf32>
    %reduce_min3A_1226 = vector.multi_reduction <minimumf>, %dot_general3A_1224, %reduce_min3A_1225 [0] : vector<256x256xf32> to vector<256xf32>
    %broadcast_in_dim3A_1227 = vector.shape_cast %reduce_min3A_1226 : vector<256xf32> to vector<1x256xf32>
    %min3A_1228 = arith.minimumf %min3A_1219, %broadcast_in_dim3A_1227 : vector<1x256xf32>
    %get3A_1229 = arith.constant 0 : index
    %get3A_1230 = arith.constant 1792 : index
    %get3A_1231 = vector.load %arg11[%get3A_1229, %get3A_1230] : memref<24x2048xbf16, #tpu.memory_space<vmem>>, vector<24x256xbf16>
    %dot_general3A_1232 = arith.constant dense<0.000000e+00> : vector<256x256xf32>
    %dot_general3A_1233 = tpu.matmul %get3A_1231, %get3A_1166, %dot_general3A_1232 {dimension_numbers = #tpu.dot_dimension_numbers<[0], [0], [1], [1], [0, 1, 1, 1], [], []>, transpose_lhs_hint = false} : vector<24x256xbf16>, vector<24x256xbf16>, vector<256x256xf32> -> vector<256x256xf32>
    %reduce_min3A_1234 = arith.constant dense<0x7F800000> : vector<256xf32>
    %reduce_min3A_1235 = vector.multi_reduction <minimumf>, %dot_general3A_1233, %reduce_min3A_1234 [0] : vector<256x256xf32> to vector<256xf32>
    %broadcast_in_dim3A_1236 = vector.shape_cast %reduce_min3A_1235 : vector<256xf32> to vector<1x256xf32>
    %min3A_1237 = arith.minimumf %min3A_1228, %broadcast_in_dim3A_1236 : vector<1x256xf32>
    %get3A_1238 = arith.constant 0 : index
    %get3A_1239 = arith.constant 2048 : index
    %get3A_1240 = vector.load %arg12[%get3A_1238, %get3A_1239] : memref<1x2304xf32, #tpu.memory_space<vmem>>, vector<1x256xf32>
    %get3A_1241 = arith.constant 0 : index
    %get3A_1242 = arith.constant 2048 : index
    %get3A_1243 = vector.load %arg3[%get3A_1241, %get3A_1242] : memref<1x2304xf32, #tpu.memory_space<vmem>>, vector<1x256xf32>
    %add3A_1244 = arith.addf %min3A_1237, %get3A_1240 : vector<1x256xf32>
    %mul3A_1245 = arith.mulf %get3A_1243, %add3A_1244 : vector<1x256xf32>
    %add3A_1246 = arith.addf %add3A_1163, %mul3A_1245 : vector<1x256xf32>
    %swap3A_1247 = arith.constant 0 : index
    %swap3A_1248 = arith.constant 0 : index
    %swap3A_1249 = arith.constant 0 : index
    %swap3A_1250 = vector.load %arg9[%swap3A_1247, %swap3A_1248, %swap3A_1249] : memref<1x1x256xf32, #tpu.memory_space<vmem>>, vector<1x1x256xf32>
    %swap3A_1251 = vector.shape_cast %swap3A_1250 : vector<1x1x256xf32> to vector<1x256xf32>
    %swap3A_1252 = vector.shape_cast %add3A_1246 : vector<1x256xf32> to vector<1x1x256xf32>
    tpu.vector_store %arg9[%swap3A_1247, %swap3A_1248, %swap3A_1249], %swap3A_1252 {strides = array<i32>} : memref<1x1x256xf32, #tpu.memory_space<vmem>>, vector<1x1x256xf32>,
    return
  }
  func.func @transform_0(%arg0: i32) -> (i32, i32, i32) {
    %c0_i32 = arith.constant 0 : i32
    %c0_i32_0 = arith.constant 0 : i32
    %c0_i32_1 = arith.constant 0 : i32
    return %arg0, %c0_i32, %c0_i32_0 : i32, i32, i32
  }
  func.func @transform_1(%arg0: i32) -> (i32, i32, i32) {
    %c0_i32 = arith.constant 0 : i32
    %c0_i32_0 = arith.constant 0 : i32
    %c0_i32_1 = arith.constant 0 : i32
    return %arg0, %c0_i32, %c0_i32_0 : i32, i32, i32
  }
  func.func @transform_2(%arg0: i32) -> (i32, i32) {
    %c0_i32 = arith.constant 0 : i32
    %c0_i32_0 = arith.constant 0 : i32
    %c0_i32_1 = arith.constant 0 : i32
    return %c0_i32, %c0_i32_0 : i32, i32
  }
  func.func @transform_3(%arg0: i32) -> (i32, i32, i32) {
    %c0_i32 = arith.constant 0 : i32
    %c0_i32_0 = arith.constant 0 : i32
    %c0_i32_1 = arith.constant 0 : i32
    return %arg0, %c0_i32, %c0_i32_0 : i32, i32, i32
  }
  func.func @transform_4(%arg0: i32) -> (i32, i32, i32) {
    %c0_i32 = arith.constant 0 : i32
    %c0_i32_0 = arith.constant 0 : i32
    %c0_i32_1 = arith.constant 0 : i32
    return %arg0, %c0_i32, %c0_i32_0 : i32, i32, i32
  }
  func.func @transform_5(%arg0: i32) -> (i32, i32, i32) {
    %c0_i32 = arith.constant 0 : i32
    %c0_i32_0 = arith.constant 0 : i32
    %c0_i32_1 = arith.constant 0 : i32
    return %arg0, %c0_i32, %c0_i32_0 : i32, i32, i32
  }
  func.func @transform_6(%arg0: i32) -> (i32, i32, i32) {
    %c0_i32 = arith.constant 0 : i32
    %c0_i32_0 = arith.constant 0 : i32
    %c0_i32_1 = arith.constant 0 : i32
    return %arg0, %c0_i32, %c0_i32_0 : i32, i32, i32
  }
  func.func @transform_7(%arg0: i32) -> (i32, i32, i32) {
    %c0_i32 = arith.constant 0 : i32
    %c0_i32_0 = arith.constant 0 : i32
    %c0_i32_1 = arith.constant 0 : i32
    return %arg0, %c0_i32, %c0_i32_0 : i32, i32, i32
  }
  func.func @transform_8(%arg0: i32) -> (i32, i32, i32) {
    %c0_i32 = arith.constant 0 : i32
    %c0_i32_0 = arith.constant 0 : i32
    %c0_i32_1 = arith.constant 0 : i32
    return %arg0, %c0_i32, %c0_i32_0 : i32, i32, i32
  }
}

</mosaic_0001>

<sc_bundles>
// kernel: kernel.4.cloned.1.call-start
scs
__scs_entry_jumppad:
0x0: {  	(pc) =	sbr.rel $0x88, $3  }
0x1: {  	(tag) =	ssettag $0x0;
	lr =	simm.s32 $0x1  }
0x2: {  	[smem:$0x3F97] =	sst lr;
	_ =	strace $0xD0000000  }
0x3: {  	_ = 	snop  }
0x4: {  	_ = 	snop  }
0x5: {  	_ = 	snop  }
0x6: {  	_ = 	snop  }
0x7: {  	_ = 	snop  }
__scs_overlays_trampoline_lowered:
0x8: {  	[smem:$0x3FA6] =	sst s0  }
0x9: {  	[smem:$0x3FA7] =	sst s1  }
0xa: {  	[smem:$0x3FA8] =	sst s2  }
0xb: {  	[smem:$0x3FA9] =	sst s3  }
0xc: {  	[smem:$0x3FAA] =	sst s4  }
0xd: {  	[smem:$0x3FAB] =	sst s5  }
0xe: {  	[smem:$0x3FAC] =	sst s6  }
0xf: {  	[smem:$0x3FAD] =	sst s7  }
0x10: {  	[smem:$0x3FAE] =	sst s8  }
0x11: {  	[smem:$0x3FAF] =	sst s9;
	s0 =	simm.s32 @!p0 $0x0  }
0x12: {  	s1 =	sld [smem:$0x3F95];
	s0 =	simm.s32 @p0 $0x1  }
0x13: {  	[smem:$0x3FB0] =	sst s0;
	s0 =	simm.s32 @!p1 $0x0  }
0x14: {  	s2 =	sld [smem:$0x3F94];
	s0 =	simm.s32 @p1 $0x1  }
0x15: {  	[smem:$0x3FB1] =	sst s0;
	s0 =	simm.s32 @!p2 $0x0  }
0x16: {  	s3 =	sld [smem:$0x3FDB];
	s0 =	simm.s32 @p2 $0x1  }
0x17: {  	s4 =	simm.s32 $0x1BF5;
	[smem:$0x3FB3] =	sst s0  }
0x18: {  	s0 =	sld [smem:$0x3F96];
	_ =	swait.ge [sflag:s4], $0x0  }
0x19: {  	s7 =	sld [smem:$0x3F97]  }
0x1a: {  	s8 =	sadd.s32 $0xFFFFE003, lr  }
0x1b: {  	s9 =	sadd.s32 $0xFFFFFEF7, lr;
	s5 =	simm.s32 $0xFFFFFFFF;
	p2 =	slt.u32 s8, $0xFFFFF086  }
0x1c: {  	p1 =	slt.u32 s9, $0xF7A;
	s5 =	simm.s32 @!p2 $0x0  }
0x1d: {  	s5 =	simm.s32 @p1 $0x1;
	p0 =	seq.s32 s7, s2  }
0x1e: {  	s7 =	smul.u32 @!p0 $0xF7A, s2;
	p2 =	seq.s32 @!p0 s5, $0x0  }
0x1f: {  	s9 =	smul.u32 $0xF7A, s1;
	s8 =	simm.s32 @!p0 $0x1BF5;
	p2 =	por !p2, p0  }
0x20: {  	[sflag:s8] =	ssyncset.s32 @!p0 $0xFFFFF086;
	s6 =	sadd.s32 @!p0 s3, s7;
	s7 =	simm.s32 @!p0 $0x108  }
0x21: {  	s3 =	sadd.s32 s3, s9;
	s6 =	sadd.s32 @!p0 $0x88, s6;
	s7 =	simm.s32 @p2 $0x1082  }
0x22: {  	[simem:s7], [sflag:s8] =	dma.local @!p0 [hbm:s6], $0xF7A  }
0x23: {  	s9 =	sor.u32 $0xD0000000, s2;
	s6 =	simm.s32 $0x108;
	_ =	swait.ge @!p0 [sflag:s8], $0x0  }
0x24: {  	s3 =	sadd.s32 $0x88, s3;
	s6 =	simm.s32 @!p1 $0x1082;
	[sflag:s4] =	ssyncset.s32 $0xFFFFF086  }
0x25: {  	[simem:s6], [sflag:s4] =	dma.local [hbm:s3], $0xF7A  }
0x26: {  	[smem:$0x3F97] =	sst s1;
	(tag) =	ssettag s2;
	_ =	strace s9  }
0x27: {  	s1 =	sld [smem:$0x3FA7]  }
0x28: {  	s2 =	sld [smem:$0x3FA8]  }
0x29: {  	s4 =	sld [smem:$0x3FAA]  }
0x2a: {  	p0 =	seq.s32 s5, $0x0;
	s5 =	sld [smem:$0x3FAB]  }
0x2b: {  	s6 =	sld [smem:$0x3FAC]  }
0x2c: {  	s7 =	sld [smem:$0x3FAD]  }
0x2d: {  	s3 =	simm.s32 $0x108;
	s8 =	sld [smem:$0x3FAE]  }
0x2e: {  	s3 =	simm.s32 @!p0 $0x1082;
	s9 =	sld [smem:$0x3FAF]  }
0x2f: {  	lr =	sadd.s32 s0, s3;
	s0 =	sld [smem:$0x3FA6]  }
0x30: {  	s3 =	sld [smem:$0x3FA9]  }
0x31: {  	[smem:$0x3FB2] =	sst s10  }
0x32: {  	s10 =	sld [smem:$0x3FB0];
	_ =	sdelay $0x3  }
0x33: {  	p0 =	seq.s32 s10, $0x1;
	s10 =	sld [smem:$0x3FB2];
	_ =	sdelay $0x3  }
0x34: {  	[smem:$0x3FB2] =	sst s10  }
0x35: {  	s10 =	sld [smem:$0x3FB1];
	_ =	sdelay $0x3  }
0x36: {  	p1 =	seq.s32 s10, $0x1;
	s10 =	sld [smem:$0x3FB2];
	_ =	sdelay $0x3  }
0x37: {  	[smem:$0x3FB2] =	sst s10  }
0x38: {  	s10 =	sld [smem:$0x3FB3]  }
0x39: {  	_ = 	snop;
	(pc) =	sbr.ind lr, $3  }
0x3a: {  	_ = 	snop  }
0x3b: {  	_ = 	snop  }
0x3c: {  	p2 =	seq.s32 s10, $0x1;
	s10 =	sld [smem:$0x3FB2]  }
0x3d: {  	_ =	shalt  }
0x3e: {  	_ =	shalt  }
0x3f: {  	_ =	shalt  }
0x40: {  	_ =	shalt  }
0x41: {  	_ =	shalt  }
0x42: {  	_ =	shalt  }
0x43: {  	_ =	shalt  }
0x44: {  	_ =	shalt  }
0x45: {  	_ =	shalt  }
0x46: {  	_ =	shalt  }
0x47: {  	_ =	shalt  }
0x48: {  	_ =	shalt  }
0x49: {  	_ =	shalt  }
0x4a: {  	_ =	shalt  }
0x4b: {  	_ =	shalt  }
0x4c: {  	_ =	shalt  }
0x4d: {  	_ =	shalt  }
0x4e: {  	_ =	shalt  }
0x4f: {  	_ =	shalt  }
0x50: {  	_ =	shalt  }
0x51: {  	_ =	shalt  }
0x52: {  	_ =	shalt  }
0x53: {  	_ =	shalt  }
0x54: {  	_ =	shalt  }
0x55: {  	_ =	shalt  }
0x56: {  	_ =	shalt  }
0x57: {  	_ =	shalt  }
0x58: {  	_ =	shalt  }
0x59: {  	_ =	shalt  }
0x5a: {  	_ =	shalt  }
0x5b: {  	_ =	shalt  }
0x5c: {  	_ =	shalt  }
0x5d: {  	_ =	shalt  }
0x5e: {  	_ =	shalt  }
0x5f: {  	_ =	shalt  }
0x60: {  	_ =	shalt  }
0x61: {  	_ =	shalt  }
0x62: {  	_ =	shalt  }
0x63: {  	_ =	shalt  }
0x64: {  	_ =	shalt  }
0x65: {  	_ =	shalt  }
0x66: {  	_ =	shalt  }
0x67: {  	_ =	shalt  }
0x68: {  	_ =	shalt  }
0x69: {  	_ =	shalt  }
0x6a: {  	_ =	shalt  }
0x6b: {  	_ =	shalt  }
0x6c: {  	_ =	shalt  }
0x6d: {  	_ =	shalt  }
0x6e: {  	_ =	shalt  }
0x6f: {  	_ =	shalt  }
0x70: {  	_ =	shalt  }
0x71: {  	_ =	shalt  }
0x72: {  	_ =	shalt  }
0x73: {  	_ =	shalt  }
0x74: {  	_ =	shalt  }
0x75: {  	_ =	shalt  }
0x76: {  	_ =	shalt  }
0x77: {  	_ =	shalt  }
0x78: {  	_ =	shalt  }
0x79: {  	_ =	shalt  }
0x7a: {  	_ =	shalt  }
0x7b: {  	_ =	shalt  }
0x7c: {  	_ =	shalt  }
0x7d: {  	_ =	shalt  }
0x7e: {  	_ =	shalt  }
0x7f: {  	_ =	shalt  }
0x80: {  	_ =	shalt  }
0x81: {  	_ =	shalt  }
0x82: {  	_ =	shalt  }
0x83: {  	_ =	shalt  }
0x84: {  	_ =	shalt  }
0x85: {  	_ =	shalt  }
0x86: {  	_ =	shalt  }
0x87: {  	_ =	shalt  }
.Lfunc_end0:
.L_simem_size_0:
called_computation_lowered:
.L_overlay_start_0:
0x88: {  	s2 =	sld [smem:$0x3FD9]  }
0x89: {  	s3 =	sld [smem:$0x3FFE];
	_ =	sdelay $0x1  }
0x8a: {  	s1 =	srdreg.scid  }
0x8b: {  	s0 =	sand.u32 $0x1, s1  }
0x8c: {  	s14 =	sshll.u32 s0, $0xA;
	s2 =	sadd.s32 s3, s2  }
0x8d: {  	s2 =	sadd.s32 s2, s14  }
0x8e: {  	[smem:$0x3FBE] =	sst s2  }
0x8f: {  	_ = 	snop  }
0x90: {  	s2 =	sld [smem:$0x3FD0];
	_ =	sdelay $0x2  }
0x91: {  	s15 =	simm.s32 $0xA;
	s4 =	simm.s32 $0x10  }
0x92: {  	[smem:s4], [sflag:s15] =	dma.local [hbm:s2], $0x1  }
0x93: {  	_ =	swait.eq [sflag:s15], $0x1  }
0x94: {  	[sflag:s15] =	ssyncset.done $0x0  }
0x95: {  	[sflag:s15] =	ssyncadd.s32 $0xFFFFFFFF  }
0x96: {  	s16 =	sld [smem:$0x11];
	(tm) =	ssettm $0x1  }
0x97: {  	s17 =	sld [smem:$0x3FFB];
	_ =	sdelay $0x3  }
0x98: {  	_ =	strace s17  }
0x99: {  	s3 =	sld [smem:$0x3FFC];
	_ =	sdelay $0x3  }
0x9a: {  	_ =	strace s3  }
0x9b: {  	s3 =	sld [smem:$0x3FFD];
	_ =	sdelay $0x3  }
0x9c: {  	_ =	strace s3  }
0x9d: {  	_ =	strace $0x8FFFFFFF  }
0x9e: {  	s18 =	sld [smem:$0x3FDB];
	_ =	sdelay $0x1  }
0x9f: {  	s19 =	simm.s32 $_scs_section_size  }
0xa0: {  	s5 =	simm.s32 $_size__tile_overlayer_lowered;
	s6 =	simm.s32 $_tile_overlayer_lowered  }
0xa1: {  	s22 =	simm.s32 $0x1BFF;
	s21 =	sshll.u32 s6, $0x1;
	s3 =	sadd.s32 s19, s18  }
0xa2: {  	s7 =	simm.s32 $0x0;
	s20 =	sshll.u32 s5, $0x1;
	s5 =	sadd.s32 s21, s3  }
0xa3: {  	[timem:s7], [sflag:s22] =	dma.local [hbm:s5], s20  }
0xa4: {  	_ =	swait.ge [sflag:s22], s20  }
0xa5: {  	s4 =	ssub.s32 $0x0, s20;
	[sflag:s22] =	ssyncset.done $0x0  }
0xa6: {  	[sflag:s22] =	ssyncadd.s32 s4;
	_ =	sdelay $0x1  }
0xa7: {  	s23 =	simm.s32 $0x1B8B  }
0xa8: {  	_ =	swait.ge [sflag:s23], $0x1  }
0xa9: {  	[sflag:s23] =	ssyncset.done $0x0  }
0xaa: {  	s25 =	simm.s32 $0x1B8E;
	s24 =	sld [smem:$0x3FFE];
	[sflag:s23] =	ssyncadd.s32 $0xFFFFFFFF  }
0xab: {  	s26 =	simm.s32 $execute0_lowered;
	[smem:$0x3FD2] =	sst s25  }
0xac: {  	s5 =	sshll.u32 s26, $0x1;
	_ =	strace $0x80000046;
	[dreg:$0x1] =	wrdreg $0xFFFFFFFF  }
0xad: {  	s28 =	simm.s32 $_size_execute0_lowered;
	s3 =	sadd.s32 s3, s5;
	[dreg:$0x0] =	wrdreg $0x0  }
0xae: {  	s5 =	sshll.u32 s28, $0x1;
	[dreg:$0x2] =	wrdreg s3  }
0xaf: {  	[dreg:$0x3] =	wrdreg s5  }
0xb0: {  	[dreg:$0x4] =	wrdreg $0xC0  }
0xb1: {  	_ =	task [dreg:s7], $0x5FFFF  }
0xb2: {  	[dreg:$0x1] =	wrdreg $0xFFFFFFFF  }
0xb3: {  	[dreg:$0x0] =	wrdreg $0x60  }
0xb4: {  	[dreg:$0x2] =	wrdreg s24  }
0xb5: {  	[dreg:$0x3] =	wrdreg s16  }
0xb6: {  	[dreg:$0x4] =	wrdreg $0x9  }
0xb7: {  	_ =	task.clear_ibuf [dreg:s7], $0x5FFFF;
	_ =	strace $0x90000046  }
0xb8: {  	s29 =	simm.s32 $0x9;
	_ =	strace $0x80000048  }
0xb9: {  	_ =	swait.ge [sflag:s29], $0x1  }
0xba: {  	[sflag:s29] =	ssyncadd.s32 $0xFFFFFFFF  }
0xbb: {  	_ =	strace $0x90000048  }
0xbc: {  	_ =	sfence  }
0xbd: {  	s30 =	sld [smem:$0x0];
	_ =	sdelay $0x2  }
0xbe: {  	s31 =	sshll.u32 s1, $0xD;
	s1 =	sshrl.u32 s1, $0x2  }
0xbf: {  	s3 =	sand.u32 $0x4000, s31;
	s1 =	sadd.s32 s1, s30  }
0xc0: {  	s0 =	sor.u32 s3, s0;
	s1 =	sshll.u32 s1, $0x11  }
0xc1: {  	s0 =	sor.u32 s1, s0  }
0xc2: {  	s0 =	sadd.s32 $0x8F2B, s0  }
0xc3: {  	[sflag:s0] =	ssyncadd.remote.s32 $0x1  }
0xc4: {  	_ =	sfence.sel $0xFFFF  }
0xc5: {  	[dreg:$0x0] =	wrdreg $0xFFFFFFFF;
	(pc) =	sbr.abs _section_cstart, $3  }
0xc6: {  	[dreg:$0x1] =	wrdreg $0xFFFFFFFF  }
0xc7: {  	_ =	task.clear_ibuf [dreg:s7], $0x2FFFF;
	_ =	strace $0x9FFFFFFF  }
0xc8: {  	(tm) =	ssettm $0x7FFFFFFF  }
0xc9: {  	_ =	shalt  }
tec
execute0_lowered:
.L_overlay_start_1:
0x0: {  	(tag) =	ssettag $0x1  }
0x1: {  	s4 =	rddreg [dreg:$0x0]  }
0x2: {  	s2 =	rddreg [dreg:$0x1]  }
0x3: {  	s0 =	rddreg [dreg:$0x2]  }
0x4: {  	s1 =	stileid.u32;
	s3 =	simm.s32 $0x0;
	s5 =	srdreg.scid  }
0x5: {  	s10 =	simm.s32 $0x2780;
	s11 =	simm.s32 $0x0;
	s6 =	sshrl.u32 s1, $0x2  }
0x6: {  	s5 =	sand.u32 $0x1, s5;
	s7 =	sshll.u32 s1, $0x8;
	[smem:$0x7FF] =	sst s3  }
0x7: {  	s8 =	smul.u32 $0xF400, s6;
	s9 =	sshll.u32 s5, $0x7;
	s7 =	sand.u32 $0x300, s7  }
0x8: {  	s6 =	smul.u32 $0xD800, s6;
	s5 =	ssub.s32 $0x2, s5;
	s7 =	sor.u32 s9, s7  }
0x9: {  	_ =	strace $0x80000047;
	s30 =	sshrl.u32 s5, $0x1;
	s8 =	sor.u32 s8, s7  }
0xa: {  	s9 =	simm.s32 $0x1;
	s6 =	sor.u32 s6, s7;
	s29 =	sshrl.u32 s8, $0x3  }
0xb: {  	s31 =	ssub.s32 s5, s30;
	s6 =	sshrl.u32 s6, $0x3;
	s7 =	sadd.s32 s29, s4  }
0xc: {  	s8 =	simm.s32 $0x400;
	s6 =	sadd.s32 s6, s4;
	s4 =	sadd.s32 $0x1600, s7  }
0xd: {  	s5 =	sadd.s32 $0x9000, s6;
	s6 =	smax.u32 s31, $0x1;
	s7 =	simm.s32 $0x80  }
.LBB2_1:
0xe: {  	[tilespmem:s3], [sflag:$0x1] =	stream.strided.gather [hbm4b:s4+s7], $0x1E80, s8, s7, $0x38;
	[tilespmem:$0x4280] =	vst v63  }
0xf: {  	_ =	swait.ge [sflag:s9], $0x1E80  }
0x10: {  	[sflag:s9] =	ssyncset.done $0x0  }
0x11: {  	s12 =	simm.s32 $0x1E80;
	[sflag:s9] =	ssyncadd.s32 $0xFFFFE180  }
0x12: {  	[tilespmem:s12], [sflag:$0x1] =	stream.linear.gather [hbm4b:s2+s3], $0x900, $0x38;
	[tilespmem:$0x4280] =	vst v63  }
0x13: {  	_ =	swait.ge [sflag:s9], $0x900  }
0x14: {  	[sflag:s9] =	ssyncset.done $0x0  }
0x15: {  	[sflag:s9] =	ssyncadd.s32 $0xFFFFF700  }
0x16: {  	v0 =	vld [tilespmem:s12+$0x0];
	_ =	sdelay $0x7  }
0x17: {  	v1 =	vld.idx.msk [tilespmem:v0+s3+$0x0], $0xffff  }
0x18: {  	v2 =	vadd.s32 $0xA08, v0;
	_ =	sdelay $0x3  }
0x19: {  	[tilespmem:s10+$0x0] =	vst v1  }
0x1a: {  	v1 =	vld.idx.msk [tilespmem:v2+s3+$0x0], $0xffff  }
0x1b: {  	v0 =	vadd.s32 $0x1410, v0;
	_ =	sdelay $0x2  }
0x1c: {  	s15 =	sand.u32 $0xFF0, s3  }
0x1d: {  	[tilespmem:s15+$0x3080] =	vst v1  }
0x1e: {  	s13 =	simm.s32 $0x10;
	s14 =	simm.s32 $0x2780;
	v0 =	vld.idx.msk [tilespmem:v0+s3+$0x0], $0xffff  }
.LBB2_2:
0x1f: {  	_ =	sdelay $0x3  }
0x20: {  	p0 =	sne.s32 s13, $0x8F0;
	s12 =	sadd.s32 $0x10, s12;
	s14 =	sadd.s32 $0x10, s14;
	[tilespmem:s15+$0x3980] =	vst v0  }
0x21: {  	s15 =	smov.u32 s13;
	s13 =	sadd.s32 $0x10, s13;
	v0 =	vld [tilespmem:s12+$0x0];
	_ =	sdelay $0x7  }
0x22: {  	v1 =	vld.idx.msk [tilespmem:v0+s3+$0x0], $0xffff;
	_ =	sdelay $0x1  }
0x23: {  	v2 =	vadd.s32 $0xA08, v0;
	_ =	sdelay $0x3  }
0x24: {  	[tilespmem:s14+$0x0] =	vst v1  }
0x25: {  	v1 =	vld.idx.msk [tilespmem:v2+s3+$0x0], $0xffff;
	_ =	sdelay $0x1  }
0x26: {  	v0 =	vadd.s32 $0x1410, v0  }
.Ltmp0:
0x27: {  	(pc) =	sbr.rel @p0 .LBB2_2-.Ltmp0, $4  }
0x28: {  	_ = 	snop  }
0x29: {  	s15 =	sand.u32 $0xFF0, s15  }
0x2a: {  	[tilespmem:s15+$0x3080] =	vst v1  }
0x2b: {  	v0 =	vld.idx.msk [tilespmem:v0+s3+$0x0], $0xffff  }
0x2c: {  	_ =	sdelay $0x1  }
0x2d: {  	s11 =	sadd.s32 $0x1, s11  }
0x2e: {  	p0 =	sne.s32 s11, s6  }
.Ltmp1:
0x2f: {  	[tilespmem:s15+$0x3980] =	vst v0;
	(pc) =	sbr.rel @p0 .LBB2_1-.Ltmp1, $4  }
0x30: {  	[hbm4b:s5+s7] =	stream.strided.scatter [tilespmem:s10], [sflag:$0x1], $0x1B00, s8, s7, $0x38;
	[tilespmem:$0x4280] =	vst v63  }
0x31: {  	_ =	swait.ge [sflag:s9], $0x1B00  }
0x32: {  	[sflag:s9] =	ssyncset.done $0x0  }
0x33: {  	[sflag:s9] =	ssyncadd.s32 $0xFFFFE500  }
0x34: {  	_ =	sfence.sel $0x180000  }
0x35: {  	[bflag:$0x0] =	sbarrier.arrive $0xFFFF  }
0x36: {  	p0 =	sne.s32 s1, $0x0;
	_ =	strace $0x90000047  }
0x37: {  	s0 =	sadd.s32 @!p0 $0x100000, s0;
	[bflag:$0x2] =	sbarrier.arrive $0xFFFF  }
0x38: {  	[sflag:s0] =	ssyncadd.tile.s32 @!p0 $0x1;
	_ =	shalt  }
.Lfunc_end2:
_tile_overlayer_lowered:
.L_overlay_start_2:
0x39: {  	(tag) =	ssettag $0x2  }
0x3a: {  	s0 =	rddreg [dreg:$0x0];
	s2 =	stileid.u32  }
0x3b: {  	s1 =	rddreg [dreg:$0x1];
	p0 =	sne.s32 s2, $0x0  }
0x3c: {  	s3 =	rddreg [dreg:$0x2];
	[bflag:$0x3] =	sbarrier.arrive $0xFFFF;
	s2 =	simm.s32 @!p0 $0x1C01  }
0x3d: {  	[timem:s3], [sflag:s2] =	dma.local @!p0 [hbm:s0], s1  }
0x3e: {  	s0 =	simm.s32 @!p0 $0x1  }
0x3f: {  	_ =	swait.ge @!p0 [sflag:s0], s1  }
0x40: {  	s1 =	ssub.s32 @!p0 $0x0, s1;
	[sflag:s0] =	ssyncset.done @!p0 $0x0  }
0x41: {  	[sflag:s0] =	ssyncadd.s32 @!p0 s1  }
0x42: {  	[bflag:$0x3] =	sbarrier.arrive $0xFFFF  }
0x43: {  	_ =	shalt  }

</sc_bundles>
